<compile_context>
chip_gen: v7x
topology: tpu7x:2x2x1
jax: 0.10.2.dev20260603
libtpu: 0.0.44.dev20260713+nightly
codegen_flags: <defaults>
</compile_context>

<pallas_src>
import jax
import jax.numpy as jnp
from jax.experimental import pallas as pl
from jax.experimental.pallas import tpu as pltpu
from jax.experimental.pallas import tpu_sc as plsc

_DIM = 768
_CDIM = 256
_K = 8192
_TOK_TILE = 512
_GATHER_WINDOW = 128


def _argmin_kernel(z_ref, wq_hbm, bq_ref, cb_hbm, idx_ref, dsum_ref,
                   cb_ref, wq_ref, cb2_ref, sem):
    @pl.when(pl.program_id(0) == 0)
    def _():
        cp1 = pltpu.make_async_copy(cb_hbm, cb_ref, sem)
        cp1.start()
        cp2 = pltpu.make_async_copy(wq_hbm, wq_ref, sem)
        cp2.start()
        cp1.wait()
        cp2.wait()
        cb2_ref[...] = jax.lax.dot_general(
            jnp.ones((1, _CDIM), jnp.float32), cb_ref[...] ** 2,
            (((1,), (1,)), ((), ())))
        dsum_ref[...] = jnp.zeros((1, 1), jnp.float32)

    zp = jax.lax.dot_general(
        z_ref[...], wq_ref[...], (((1,), (1,)), ((), ()))) + bq_ref[...]
    zp2 = jnp.sum(zp ** 2, axis=1, keepdims=True)
    mm2n = jax.lax.dot_general(
        -2.0 * zp, cb_ref[...], (((1,), (1,)), ((), ())))
    cb2 = cb2_ref[...]
    t = zp.shape[0]
    acc = (zp2 + cb2[:, 0:128]) + mm2n[:, 0:128]
    accg = jnp.zeros((t, 128), jnp.int32)
    for g in range(1, _K // 128):
        dg = (zp2 + cb2[:, g * 128:(g + 1) * 128]) \
            + mm2n[:, g * 128:(g + 1) * 128]
        better = dg < acc
        acc = jnp.where(better, dg, acc)
        accg = jnp.where(better, g, accg)
    dmin = jnp.min(acc, axis=1, keepdims=True)
    lane = jax.lax.broadcasted_iota(jnp.int32, (t, 128), 1)
    k_cand = jnp.where(acc == dmin, accg * 128 + lane, _K)
    idx = jnp.min(k_cand, axis=1)
    idx_ref[0, 0, :] = idx.astype(jnp.int32)

    dsum_ref[...] += jnp.sum(dmin).reshape(1, 1)


def _proj_kernel(zq_ref, wpq_ref, bpq_ref, out_ref):
    out_ref[...] = jax.lax.dot_general(
        zq_ref[...], wpq_ref[...], (((1,), (1,)), ((), ()))) + bpq_ref[...]


def _sc_gather(table, idx_row):
    n_rows = idx_row.shape[1]
    width = table.shape[1]
    mesh = plsc.VectorSubcoreMesh(core_axis_name="core",
                                  subcore_axis_name="subcore")

    @pl.kernel(out_type=jax.ShapeDtypeStruct((n_rows, width), table.dtype),
               mesh=mesh)
    def kern(cb_hbm, i_hbm, o_hbm):
        def body(i_vmem, o_vmem):
            pltpu.sync_copy(cb_hbm.at[i_vmem.at[0]], o_vmem)

        pltpu.emit_pipeline(
            body,
            grid=(n_rows // _GATHER_WINDOW,),
            in_specs=[pl.BlockSpec((1, _GATHER_WINDOW),
                                   index_map=lambda i: (0, i))],
            out_specs=[pl.BlockSpec((_GATHER_WINDOW, width),
                                    index_map=lambda i: (i, 0))],
            core_axis_name=("core", "subcore"),
            dimension_semantics=(pltpu.PARALLEL,),
        )(i_hbm, o_hbm)

    return kern(table, idx_row)


def _argmin_call(zh, W_q, bq2, codebook):
    n_tiles = zh.shape[0] // _TOK_TILE
    return pl.pallas_call(
        _argmin_kernel,
        grid=(n_tiles,),
        in_specs=[
            pl.BlockSpec((_TOK_TILE, _DIM), lambda i: (i, 0)),
            pl.BlockSpec(memory_space=pl.ANY),
            pl.BlockSpec((1, _CDIM), lambda i: (0, 0)),
            pl.BlockSpec(memory_space=pl.ANY),
        ],
        out_specs=[
            pl.BlockSpec((1, 1, _TOK_TILE), lambda i: (i, 0, 0)),
            pl.BlockSpec((1, 1), lambda i: (0, 0)),
        ],
        out_shape=[
            jax.ShapeDtypeStruct((n_tiles, 1, _TOK_TILE), jnp.int32),
            jax.ShapeDtypeStruct((1, 1), jnp.float32),
        ],
        scratch_shapes=[
            pltpu.VMEM((_K, _CDIM), jnp.float32),
            pltpu.VMEM((_CDIM, _DIM), jnp.float32),
            pltpu.VMEM((1, _K), jnp.float32),
            pltpu.SemaphoreType.DMA,
        ],
    )(zh, W_q, bq2, codebook)


def kernel(z, W_q, b_q, codebook, W_pq, b_pq):
    B, HW, dim = z.shape
    n = B * HW
    zf = z.reshape(n, dim)

    idx3, dsum = _argmin_call(zf, W_q, b_q.reshape(1, _CDIM), codebook)
    idx_flat = idx3.reshape(n)
    zq = _sc_gather(codebook, idx3.reshape(1, n))

    out = pl.pallas_call(
        _proj_kernel,
        grid=(B,),
        in_specs=[
            pl.BlockSpec((HW, _CDIM), lambda i: (i, 0)),
            pl.BlockSpec((_DIM, _CDIM), lambda i: (0, 0)),
            pl.BlockSpec((1, _DIM), lambda i: (0, 0)),
        ],
        out_specs=pl.BlockSpec((HW, _DIM), lambda i: (i, 0)),
        out_shape=jax.ShapeDtypeStruct((n, _DIM), jnp.float32),
    )(zq, W_pq, b_pq.reshape(1, _DIM))

    loss = dsum[0, 0] * (1.25 / (n * _CDIM))
    return out.reshape(B, HW, dim), idx_flat.reshape(B, HW), loss

# --- scband reference (transcript-rebuilt; emitter-appended) ---
"""Pipeline reference for scband-vector-quantize-61959198212260 (READ-ONLY COPY).

The authoritative reference and input builder live on the scoring server;
editing this copy changes nothing except your own understanding.
"""

import jax, jax.numpy as jnp
import numpy as np


def setup_inputs(seed: int = 0) -> dict:
    key = jax.random.key(seed)
    ks = jax.random.split(key, 6)
    dim, cdim, K = 768, 256, 8192
    B, HW = 8, 1024
    z = jax.random.normal(ks[0], (B, HW, dim), dtype=jnp.float32)
    W_q = jax.random.normal(ks[1], (cdim, dim), dtype=jnp.float32) * (1.0 / np.sqrt(dim))
    b_q = jnp.zeros((cdim,), dtype=jnp.float32)
    W_pq = jax.random.normal(ks[2], (dim, cdim), dtype=jnp.float32) * (1.0 / np.sqrt(cdim))
    b_pq = jnp.zeros((dim,), dtype=jnp.float32)
    codebook = jax.random.uniform(ks[3], (K, cdim), dtype=jnp.float32, minval=-1.0 / K, maxval=1.0 / K)
    return {"z": z, "W_q": W_q, "b_q": b_q, "codebook": codebook, "W_pq": W_pq, "b_pq": b_pq}


def reference(z, W_q, b_q, codebook, W_pq, b_pq):
    beta = 0.25
    commitment_weight = 1.0
    sg = jax.lax.stop_gradient
    # quant_proj (Linear dim -> codebook_dim)
    zp = jnp.matmul(z, W_q.T) + b_q
    # squared distances to codebook entries
    d = (jnp.sum(zp ** 2, axis=2, keepdims=True)
         + jnp.sum(codebook ** 2, axis=1)
         - 2.0 * jnp.matmul(zp, codebook.T))
    sample_idxs = jnp.argmin(d, axis=2)
    z_q = jnp.take(codebook, sample_idxs, axis=0)
    commit_loss = jnp.mean((sg(z_q) - zp) ** 2) + beta * jnp.mean((z_q - sg(zp)) ** 2)
    commit_loss = commitment_weight * commit_loss
    # straight-through estimator
    z_q = zp + sg(z_q - zp)
    # post_quant_proj (Linear codebook_dim -> dim)
    out = jnp.matmul(z_q, W_pq.T) + b_pq
    return (out, sample_idxs, commit_loss)

if __name__ == "__main__":
    import jax
    _d = setup_inputs()
    print(jax.jit(kernel)(*tuple(_d.values())))

</pallas_src>

<mosaic_0001>
#map = affine_map<(d0, d1) -> (0, 0)>
module attributes {stable_mosaic.version = 14 : i64} {
  func.func @kern(%arg0: i32, %arg1: i32, %arg2: memref<8192x256xf32, #tpu.memory_space<hbm>>, %arg3: memref<1x8192xi32, #tpu.memory_space<hbm>>, %arg4: memref<8192x256xf32, #tpu.memory_space<hbm>>) attributes {dimension_semantics = [#tpu.dimension_semantics<core_parallel>, #tpu.dimension_semantics<subcore_parallel>], iteration_bounds = array<i64: 2, 16>, scalar_prefetch = 0 : i64, scratch_operands = 0 : i64, tpu.core_type = #tpu.core_type<sc_vector_subcore>, window_params = [{transform_indices = #map}, {transform_indices = #map}, {transform_indices = #map}]} {
    %mul3A = arith.constant 1 : i32
    %mul3A_0 = arith.muli %arg1, %mul3A : i32
    %add3A = arith.constant 0 : i32
    %add3A_1 = arith.addi %add3A, %mul3A_0 : i32
    %mul3A_2 = arith.constant 16 : i32
    %mul3A_3 = arith.muli %arg0, %mul3A_2 : i32
    %add3A_4 = arith.addi %add3A_1, %mul3A_3 : i32
    %mul3A_5 = arith.constant 2 : i32
    %mul3A_6 = arith.muli %add3A_4, %mul3A_5 : i32
    "tpu.region"() ({
      %run_scoped3A = memref.alloca() : memref<2x1x128xi32, #tpu.memory_space<vmem>>
      %run_scoped3A_7 = tpu.sem_alloc : memref<2x!tpu.dma_semaphore, #tpu.memory_space<semaphore_mem>>
      %run_scoped3A_8 = memref.alloca() : memref<2x128x256xf32, #tpu.memory_space<vmem>>
      %run_scoped3A_9 = tpu.sem_alloc : memref<2x!tpu.dma_semaphore, #tpu.memory_space<semaphore_mem>>
      %add3A_10 = arith.constant 0 : i32
      %add3A_11 = arith.addi %add3A_10, %mul3A_6 : i32
      %select_n3A = arith.constant true
      %select_n3A_12 = arith.constant 0 : i32
      %select_n3A_13 = arith.constant -1 : i32
      %select_n3A_14 = arith.select %select_n3A, %select_n3A_13, %select_n3A_12 : i32
      %eq3A = arith.constant -1 : i32
      %eq3A_15 = arith.cmpi eq, %select_n3A_14, %eq3A : i32
      %select_n3A_16 = arith.constant 1 : i32
      %select_n3A_17 = arith.select %eq3A_15, %select_n3A_16, %select_n3A_14 : i32
      %add3A_18 = arith.addi %select_n3A_17, %mul3A_6 : i32
      %select_n3A_19 = arith.constant true
      %select_n3A_20 = arith.constant 0 : i32
      %select_n3A_21 = arith.constant 1 : i32
      %select_n3A_22 = arith.select %select_n3A_19, %select_n3A_21, %select_n3A_20 : i32
      %eq3A_23 = arith.constant 2 : i32
      %eq3A_24 = arith.cmpi eq, %select_n3A_22, %eq3A_23 : i32
      %select_n3A_25 = arith.constant 0 : i32
      %select_n3A_26 = arith.select %eq3A_24, %select_n3A_25, %select_n3A_22 : i32
      %add3A_27 = arith.addi %select_n3A_26, %mul3A_6 : i32
      %add3A_28 = arith.constant 1 : i32
      %add3A_29 = arith.addi %select_n3A_26, %add3A_28 : i32
      %select_n3A_30 = arith.constant true
      %select_n3A_31 = arith.select %select_n3A_30, %add3A_29, %select_n3A_26 : i32
      %eq3A_32 = arith.constant 2 : i32
      %eq3A_33 = arith.cmpi eq, %select_n3A_31, %eq3A_32 : i32
      %select_n3A_34 = arith.constant 0 : i32
      %select_n3A_35 = arith.select %eq3A_33, %select_n3A_34, %select_n3A_31 : i32
      %add3A_36 = arith.addi %select_n3A_35, %mul3A_6 : i32
      "tpu.trace_start"() <{level = 10 : i32, message = "ep_initialize_0"}> : () -> ()
      %rem3A = arith.constant 0 : i32
      %rem3A_37 = arith.constant 2 : i32
      %rem3A_38 = arith.remui %rem3A, %rem3A_37 : i32
      %mul3A_39 = arith.constant 128 : i32
      %mul3A_40 = arith.muli %mul3A_39, %add3A_11 : i32
      %dma_start3A = arith.constant 0 : i32
      %dma_start3A_41 = arith.constant 0 : i32
      %dma_start3A_42 = tpu.memref_slice %run_scoped3A[%rem3A_38, %dma_start3A, %dma_start3A_41] : memref<2x1x128xi32, #tpu.memory_space<vmem>> -> memref<1x1x128xi32, #tpu.memory_space<vmem>>
      %dma_start3A_43 = tpu.memref_squeeze %dma_start3A_42 : memref<1x1x128xi32, #tpu.memory_space<vmem>> -> memref<1x128xi32, #tpu.memory_space<vmem>>
      %dma_start3A_44 = arith.constant 0 : i32
      %dma_start3A_45 = tpu.memref_slice %arg3[%dma_start3A_44, %mul3A_40] : memref<1x8192xi32, #tpu.memory_space<hbm>> -> memref<1x128xi32, #tpu.memory_space<hbm>>
      %dma_start3A_46 = tpu.memref_slice %run_scoped3A_7[%rem3A_38] : memref<2x!tpu.dma_semaphore, #tpu.memory_space<semaphore_mem>> -> memref<1x!tpu.dma_semaphore, #tpu.memory_space<semaphore_mem>>
      %dma_start3A_47 = tpu.memref_squeeze %dma_start3A_46 : memref<1x!tpu.dma_semaphore, #tpu.memory_space<semaphore_mem>> -> memref<!tpu.dma_semaphore, #tpu.memory_space<semaphore_mem>>
      %dma_start3A_48 = arith.constant 0 : i32
      %dma_start3A_49 = arith.constant 0 : i32
      %dma_start3A_50 = tpu.memref_slice %run_scoped3A[%rem3A_38, %dma_start3A_48, %dma_start3A_49] : memref<2x1x128xi32, #tpu.memory_space<vmem>> -> memref<1x1x128xi32, #tpu.memory_space<vmem>>
      %dma_start3A_51 = tpu.memref_squeeze %dma_start3A_50 : memref<1x1x128xi32, #tpu.memory_space<vmem>> -> memref<1x128xi32, #tpu.memory_space<vmem>>
      %dma_start3A_52 = arith.constant 0 : i32
      %dma_start3A_53 = tpu.memref_slice %arg3[%dma_start3A_52, %mul3A_40] : memref<1x8192xi32, #tpu.memory_space<hbm>> -> memref<1x128xi32, #tpu.memory_space<hbm>>
      tpu.enqueue_dma source(%dma_start3A_53 : memref<1x128xi32, #tpu.memory_space<hbm>>) target(%dma_start3A_51 : memref<1x128xi32, #tpu.memory_space<vmem>>) target_semaphore(%dma_start3A_47 : memref<!tpu.dma_semaphore, #tpu.memory_space<semaphore_mem>>)
      %add3A_54 = arith.constant 0 : i32
      %add3A_55 = arith.constant 1 : i32
      %add3A_56 = arith.addi %add3A_54, %add3A_55 : i32
      %select_n3A_57 = arith.constant true
      %select_n3A_58 = arith.constant 0 : i32
      %select_n3A_59 = arith.select %select_n3A_57, %add3A_56, %select_n3A_58 : i32
      "tpu.trace_stop"() : () -> ()
      %scan3A = arith.constant 0 : i32
      %scan3A_60 = arith.constant 0 : i32
      %scan3A_61 = arith.constant 0 : i32
      %scan3A_62 = arith.constant 0 : i32
      %scan3A_63 = arith.constant 0 : i32
      %scan3A_64 = arith.constant 2 : i32
      %scan3A_65 = arith.addi %scan3A_63, %scan3A_64 : i32
      %scan3A_66 = arith.constant 1 : i32
      %scan3A_67:5 = scf.for %scan3A_121 = %scan3A_63 to %scan3A_65 step %scan3A_66 iter_args(%scan3A_122 = %select_n3A_59, %scan3A_123 = %scan3A, %scan3A_124 = %scan3A_60, %scan3A_125 = %scan3A_61, %scan3A_126 = %scan3A_62) -> (i32, i32, i32, i32, i32)  : i32 {
        %eq3A_127 = arith.constant 0 : i32
        %eq3A_128 = arith.cmpi eq, %scan3A_121, %eq3A_127 : i32
        %eq3A_129 = arith.constant 1 : i32
        %eq3A_130 = arith.cmpi eq, %scan3A_121, %eq3A_129 : i32
        %add3A_131 = arith.addi %scan3A_126, %mul3A_6 : i32
        %sub3A_132 = arith.constant 1 : i32
        %sub3A_133 = arith.subi %scan3A_126, %sub3A_132 : i32
        %select_n3A_134 = arith.constant true
        %select_n3A_135 = arith.select %select_n3A_134, %sub3A_133, %scan3A_126 : i32
        %eq3A_136 = arith.constant -1 : i32
        %eq3A_137 = arith.cmpi eq, %select_n3A_135, %eq3A_136 : i32
        %select_n3A_138 = arith.constant 1 : i32
        %select_n3A_139 = arith.select %eq3A_137, %select_n3A_138, %select_n3A_135 : i32
        %add3A_140 = arith.addi %select_n3A_139, %mul3A_6 : i32
        %add3A_141 = arith.constant 1 : i32
        %add3A_142 = arith.addi %scan3A_126, %add3A_141 : i32
        %select_n3A_143 = arith.constant true
        %select_n3A_144 = arith.select %select_n3A_143, %add3A_142, %scan3A_126 : i32
        %eq3A_145 = arith.constant 2 : i32
        %eq3A_146 = arith.cmpi eq, %select_n3A_144, %eq3A_145 : i32
        %select_n3A_147 = arith.constant 0 : i32
        %select_n3A_148 = arith.select %eq3A_146, %select_n3A_147, %select_n3A_144 : i32
        %add3A_149 = arith.addi %select_n3A_148, %mul3A_6 : i32
        %add3A_150 = arith.constant 1 : i32
        %add3A_151 = arith.addi %select_n3A_148, %add3A_150 : i32
        %select_n3A_152 = arith.constant true
        %select_n3A_153 = arith.select %select_n3A_152, %add3A_151, %select_n3A_148 : i32
        %eq3A_154 = arith.constant 2 : i32
        %eq3A_155 = arith.cmpi eq, %select_n3A_153, %eq3A_154 : i32
        %select_n3A_156 = arith.constant 0 : i32
        %select_n3A_157 = arith.select %eq3A_155, %select_n3A_156, %select_n3A_153 : i32
        %add3A_158 = arith.addi %select_n3A_157, %mul3A_6 : i32
        %ne3A = arith.cmpi ne, %add3A_131, %add3A_149 : i32
        %or3A = arith.constant false
        %or3A_159 = arith.ori %or3A, %ne3A : i1
        %ge3A = arith.constant 1 : i32
        %ge3A_160 = arith.cmpi sge, %scan3A_121, %ge3A : i32
        %not3A = arith.constant true
        %not3A_161 = arith.xori %ge3A_160, %not3A : i1
        %and3A = arith.andi %or3A_159, %not3A_161 : i1
        %convert_element_type3A = arith.extui %and3A : i1 to i32
        %cond3A = arith.constant 0 : i32
        %cond3A_162 = arith.cmpi ne, %convert_element_type3A, %cond3A : i32
        scf.if %cond3A_162 {
          "tpu.trace_start"() <{level = 10 : i32, message = "ep_copy_in"}> : () -> ()
          %rem3A_264 = arith.constant 2 : i32
          %rem3A_265 = arith.remui %scan3A_122, %rem3A_264 : i32
          %mul3A_266 = arith.constant 128 : i32
          %mul3A_267 = arith.muli %mul3A_266, %add3A_149 : i32
          %dma_start3A_268 = arith.constant 0 : i32
          %dma_start3A_269 = arith.constant 0 : i32
          %dma_start3A_270 = tpu.memref_slice %run_scoped3A[%rem3A_265, %dma_start3A_268, %dma_start3A_269] : memref<2x1x128xi32, #tpu.memory_space<vmem>> -> memref<1x1x128xi32, #tpu.memory_space<vmem>>
          %dma_start3A_271 = tpu.memref_squeeze %dma_start3A_270 : memref<1x1x128xi32, #tpu.memory_space<vmem>> -> memref<1x128xi32, #tpu.memory_space<vmem>>
          %dma_start3A_272 = arith.constant 0 : i32
          %dma_start3A_273 = tpu.memref_slice %arg3[%dma_start3A_272, %mul3A_267] : memref<1x8192xi32, #tpu.memory_space<hbm>> -> memref<1x128xi32, #tpu.memory_space<hbm>>
          %dma_start3A_274 = tpu.memref_slice %run_scoped3A_7[%rem3A_265] : memref<2x!tpu.dma_semaphore, #tpu.memory_space<semaphore_mem>> -> memref<1x!tpu.dma_semaphore, #tpu.memory_space<semaphore_mem>>
          %dma_start3A_275 = tpu.memref_squeeze %dma_start3A_274 : memref<1x!tpu.dma_semaphore, #tpu.memory_space<semaphore_mem>> -> memref<!tpu.dma_semaphore, #tpu.memory_space<semaphore_mem>>
          %dma_start3A_276 = arith.constant 0 : i32
          %dma_start3A_277 = arith.constant 0 : i32
          %dma_start3A_278 = tpu.memref_slice %run_scoped3A[%rem3A_265, %dma_start3A_276, %dma_start3A_277] : memref<2x1x128xi32, #tpu.memory_space<vmem>> -> memref<1x1x128xi32, #tpu.memory_space<vmem>>
          %dma_start3A_279 = tpu.memref_squeeze %dma_start3A_278 : memref<1x1x128xi32, #tpu.memory_space<vmem>> -> memref<1x128xi32, #tpu.memory_space<vmem>>
          %dma_start3A_280 = arith.constant 0 : i32
          %dma_start3A_281 = tpu.memref_slice %arg3[%dma_start3A_280, %mul3A_267] : memref<1x8192xi32, #tpu.memory_space<hbm>> -> memref<1x128xi32, #tpu.memory_space<hbm>>
          tpu.enqueue_dma source(%dma_start3A_281 : memref<1x128xi32, #tpu.memory_space<hbm>>) target(%dma_start3A_279 : memref<1x128xi32, #tpu.memory_space<vmem>>) target_semaphore(%dma_start3A_275 : memref<!tpu.dma_semaphore, #tpu.memory_space<semaphore_mem>>)
          "tpu.trace_stop"() : () -> ()
        } else {
        }
        %and3A_163 = arith.constant true
        %and3A_164 = arith.andi %and3A, %and3A_163 : i1
        %add3A_165 = arith.constant 1 : i32
        %add3A_166 = arith.addi %scan3A_122, %add3A_165 : i32
        %select_n3A_167 = arith.select %and3A_164, %add3A_166, %scan3A_122 : i32
        %ne3A_168 = arith.cmpi ne, %add3A_131, %add3A_149 : i32
        %or3A_169 = arith.constant false
        %or3A_170 = arith.ori %or3A_169, %ne3A_168 : i1
        %or3A_171 = arith.constant false
        %or3A_172 = arith.ori %or3A_170, %or3A_171 : i1
        %ge3A_173 = arith.constant 1 : i32
        %ge3A_174 = arith.cmpi sge, %scan3A_121, %ge3A_173 : i32
        %not3A_175 = arith.constant true
        %not3A_176 = arith.xori %ge3A_174, %not3A_175 : i1
        %and3A_177 = arith.andi %or3A_172, %not3A_176 : i1
        %ne3A_178 = arith.cmpi ne, %add3A_131, %add3A_140 : i32
        %or3A_179 = arith.constant false
        %or3A_180 = arith.ori %or3A_179, %ne3A_178 : i1
        %or3A_181 = arith.ori %or3A_180, %eq3A_128 : i1
        %convert_element_type3A_182 = arith.extui %or3A_181 : i1 to i32
        %cond3A_183 = arith.constant 0 : i32
        %cond3A_184 = arith.cmpi ne, %convert_element_type3A_182, %cond3A_183 : i32
        scf.if %cond3A_184 {
          "tpu.trace_start"() <{level = 10 : i32, message = "ep_wait_in"}> : () -> ()
          %mul3A_264 = arith.constant 128 : i32
          %mul3A_265 = arith.muli %mul3A_264, %add3A_131 : i32
          %rem3A_266 = arith.constant 2 : i32
          %rem3A_267 = arith.remui %scan3A_123, %rem3A_266 : i32
          %dma_wait3A_268 = arith.constant 0 : i32
          %dma_wait3A_269 = arith.constant 0 : i32
          %dma_wait3A_270 = tpu.memref_slice %run_scoped3A[%rem3A_267, %dma_wait3A_268, %dma_wait3A_269] : memref<2x1x128xi32, #tpu.memory_space<vmem>> -> memref<1x1x128xi32, #tpu.memory_space<vmem>>
          %dma_wait3A_271 = tpu.memref_squeeze %dma_wait3A_270 : memref<1x1x128xi32, #tpu.memory_space<vmem>> -> memref<1x128xi32, #tpu.memory_space<vmem>>
          %dma_wait3A_272 = arith.constant 0 : i32
          %dma_wait3A_273 = tpu.memref_slice %arg3[%dma_wait3A_272, %mul3A_265] : memref<1x8192xi32, #tpu.memory_space<hbm>> -> memref<1x128xi32, #tpu.memory_space<hbm>>
          %dma_wait3A_274 = tpu.memref_slice %run_scoped3A_7[%rem3A_267] : memref<2x!tpu.dma_semaphore, #tpu.memory_space<semaphore_mem>> -> memref<1x!tpu.dma_semaphore, #tpu.memory_space<semaphore_mem>>
          %dma_wait3A_275 = tpu.memref_squeeze %dma_wait3A_274 : memref<1x!tpu.dma_semaphore, #tpu.memory_space<semaphore_mem>> -> memref<!tpu.dma_semaphore, #tpu.memory_space<semaphore_mem>>
          %dma_wait3A_276 = arith.constant 0 : i32
          %dma_wait3A_277 = arith.constant 0 : i32
          %dma_wait3A_278 = tpu.memref_slice %run_scoped3A[%rem3A_267, %dma_wait3A_276, %dma_wait3A_277] : memref<2x1x128xi32, #tpu.memory_space<vmem>> -> memref<1x1x128xi32, #tpu.memory_space<vmem>>
          %dma_wait3A_279 = tpu.memref_squeeze %dma_wait3A_278 : memref<1x1x128xi32, #tpu.memory_space<vmem>> -> memref<1x128xi32, #tpu.memory_space<vmem>>
          %dma_wait3A_280 = arith.constant 0 : i32
          %dma_wait3A_281 = tpu.memref_slice %arg3[%dma_wait3A_280, %mul3A_265] : memref<1x8192xi32, #tpu.memory_space<hbm>> -> memref<1x128xi32, #tpu.memory_space<hbm>>
          tpu.wait_dma2 semaphore(%dma_wait3A_275 : memref<!tpu.dma_semaphore, #tpu.memory_space<semaphore_mem>>) src(%dma_wait3A_281 : memref<1x128xi32, #tpu.memory_space<hbm>>) dst(%dma_wait3A_279 : memref<1x128xi32, #tpu.memory_space<vmem>>)
          "tpu.trace_stop"() : () -> ()
        } else {
        }
        %ne3A_185 = arith.cmpi ne, %add3A_131, %add3A_140 : i32
        %or3A_186 = arith.constant false
        %or3A_187 = arith.ori %or3A_186, %ne3A_185 : i1
        %or3A_188 = arith.constant false
        %or3A_189 = arith.ori %or3A_187, %or3A_188 : i1
        %or3A_190 = arith.ori %or3A_189, %eq3A_128 : i1
        %convert_element_type3A_191 = arith.extui %or3A_190 : i1 to i32
        %cond3A_192 = arith.constant 0 : i32
        %cond3A_193 = arith.cmpi ne, %convert_element_type3A_191, %cond3A_192 : i32
        scf.if %cond3A_193 {
        } else {
        }
        %rem3A_194 = arith.constant 2 : i32
        %rem3A_195 = arith.remui %scan3A_123, %rem3A_194 : i32
        %rem3A_196 = arith.constant 2 : i32
        %rem3A_197 = arith.remui %scan3A_124, %rem3A_196 : i32
        %run_scoped3A_198 = arith.constant 0 : i32
        "tpu.trace_start"() <{level = 10 : i32, message = "ep_run_kernel"}> : () -> ()
        "tpu.region"() ({
          %run_scoped3A_264 = tpu.sem_alloc : memref<!tpu.dma_semaphore, #tpu.memory_space<semaphore_mem>>
          %dma_start3A_265 = arith.constant 0 : i32
          %dma_start3A_266 = arith.constant 0 : i32
          %dma_start3A_267 = tpu.memref_slice %run_scoped3A_8[%rem3A_197, %dma_start3A_265, %dma_start3A_266] : memref<2x128x256xf32, #tpu.memory_space<vmem>> -> memref<1x128x256xf32, #tpu.memory_space<vmem>>
          %dma_start3A_268 = tpu.memref_squeeze %dma_start3A_267 : memref<1x128x256xf32, #tpu.memory_space<vmem>> -> memref<128x256xf32, #tpu.memory_space<vmem>>
          %dma_start3A_269 = arith.constant 0 : i32
          %dma_start3A_270 = arith.constant 0 : i32
          %dma_start3A_271 = tpu.memref_slice %run_scoped3A[%rem3A_195, %dma_start3A_269, %dma_start3A_270] : memref<2x1x128xi32, #tpu.memory_space<vmem>> -> memref<1x1x128xi32, #tpu.memory_space<vmem>>
          %dma_start3A_272 = tpu.memref_squeeze %dma_start3A_271 : memref<1x1x128xi32, #tpu.memory_space<vmem>> -> memref<1x128xi32, #tpu.memory_space<vmem>>
          %dma_start3A_273 = arith.constant 0 : i32
          %dma_start3A_274 = tpu.memref_slice %dma_start3A_272[%run_scoped3A_198, %dma_start3A_273] : memref<1x128xi32, #tpu.memory_space<vmem>> -> memref<1x128xi32, #tpu.memory_space<vmem>>
          %dma_start3A_275 = tpu.memref_squeeze %dma_start3A_274 : memref<1x128xi32, #tpu.memory_space<vmem>> -> memref<128xi32, #tpu.memory_space<vmem>>
          %dma_start3A_276 = arith.constant 0 : i32
          %dma_start3A_277 = arith.constant 0 : i32
          %dma_start3A_278 = tpu.memref_slice %arg2[%dma_start3A_276, %dma_start3A_277] : memref<8192x256xf32, #tpu.memory_space<hbm>> -> memref<8192x256xf32, #tpu.memory_space<hbm>>
          tpu.enqueue_indirect_dma source(%dma_start3A_278 : memref<8192x256xf32, #tpu.memory_space<hbm>>) target(%dma_start3A_268 : memref<128x256xf32, #tpu.memory_space<vmem>>) offsets(%dma_start3A_275 : memref<128xi32, #tpu.memory_space<vmem>>) semaphore(%run_scoped3A_264 : memref<!tpu.dma_semaphore, #tpu.memory_space<semaphore_mem>>)
          %dma_wait3A_279 = arith.constant 0 : i32
          %dma_wait3A_280 = arith.constant 0 : i32
          %dma_wait3A_281 = tpu.memref_slice %run_scoped3A_8[%rem3A_197, %dma_wait3A_279, %dma_wait3A_280] : memref<2x128x256xf32, #tpu.memory_space<vmem>> -> memref<1x128x256xf32, #tpu.memory_space<vmem>>
          %dma_wait3A_282 = tpu.memref_squeeze %dma_wait3A_281 : memref<1x128x256xf32, #tpu.memory_space<vmem>> -> memref<128x256xf32, #tpu.memory_space<vmem>>
          %dma_wait3A_283 = arith.constant 0 : i32
          %dma_wait3A_284 = arith.constant 0 : i32
          %dma_wait3A_285 = tpu.memref_slice %run_scoped3A[%rem3A_195, %dma_wait3A_283, %dma_wait3A_284] : memref<2x1x128xi32, #tpu.memory_space<vmem>> -> memref<1x1x128xi32, #tpu.memory_space<vmem>>
          %dma_wait3A_286 = tpu.memref_squeeze %dma_wait3A_285 : memref<1x1x128xi32, #tpu.memory_space<vmem>> -> memref<1x128xi32, #tpu.memory_space<vmem>>
          %dma_wait3A_287 = arith.constant 0 : i32
          %dma_wait3A_288 = tpu.memref_slice %dma_wait3A_286[%run_scoped3A_198, %dma_wait3A_287] : memref<1x128xi32, #tpu.memory_space<vmem>> -> memref<1x128xi32, #tpu.memory_space<vmem>>
          %dma_wait3A_289 = tpu.memref_squeeze %dma_wait3A_288 : memref<1x128xi32, #tpu.memory_space<vmem>> -> memref<128xi32, #tpu.memory_space<vmem>>
          %dma_wait3A_290 = arith.constant 0 : i32
          %dma_wait3A_291 = arith.constant 0 : i32
          %dma_wait3A_292 = tpu.memref_slice %arg2[%dma_wait3A_290, %dma_wait3A_291] : memref<8192x256xf32, #tpu.memory_space<hbm>> -> memref<8192x256xf32, #tpu.memory_space<hbm>>
          tpu.wait_indirect_dma semaphore(%run_scoped3A_264 : memref<!tpu.dma_semaphore, #tpu.memory_space<semaphore_mem>>) src(%dma_wait3A_292 : memref<8192x256xf32, #tpu.memory_space<hbm>>) dst(%dma_wait3A_282 : memref<128x256xf32, #tpu.memory_space<vmem>>)
          tpu.yield
        }) : () -> ()
        "tpu.trace_stop"() : () -> ()
        %ne3A_199 = arith.cmpi ne, %add3A_131, %add3A_149 : i32
        %or3A_200 = arith.constant false
        %or3A_201 = arith.ori %or3A_200, %ne3A_199 : i1
        %or3A_202 = arith.ori %or3A_201, %eq3A_130 : i1
        %convert_element_type3A_203 = arith.extui %or3A_202 : i1 to i32
        %cond3A_204 = arith.constant 0 : i32
        %cond3A_205 = arith.cmpi ne, %convert_element_type3A_203, %cond3A_204 : i32
        scf.if %cond3A_205 {
        } else {
        }
        %and3A_206 = arith.constant false
        %and3A_207 = arith.andi %or3A_202, %and3A_206 : i1
        %ne3A_208 = arith.cmpi ne, %add3A_131, %add3A_149 : i32
        %or3A_209 = arith.constant false
        %or3A_210 = arith.ori %or3A_209, %ne3A_208 : i1
        %or3A_211 = arith.constant false
        %or3A_212 = arith.ori %or3A_210, %or3A_211 : i1
        %or3A_213 = arith.ori %or3A_212, %eq3A_130 : i1
        %convert_element_type3A_214 = arith.extui %or3A_213 : i1 to i32
        %cond3A_215 = arith.constant 0 : i32
        %cond3A_216 = arith.cmpi ne, %convert_element_type3A_214, %cond3A_215 : i32
        scf.if %cond3A_216 {
          "tpu.trace_start"() <{level = 10 : i32, message = "ep_copy_out"}> : () -> ()
          %rem3A_264 = arith.constant 2 : i32
          %rem3A_265 = arith.remui %scan3A_124, %rem3A_264 : i32
          %mul3A_266 = arith.constant 128 : i32
          %mul3A_267 = arith.muli %mul3A_266, %add3A_131 : i32
          %dma_start3A_268 = arith.constant 0 : i32
          %dma_start3A_269 = arith.constant 0 : i32
          %dma_start3A_270 = tpu.memref_slice %run_scoped3A_8[%rem3A_265, %dma_start3A_268, %dma_start3A_269] : memref<2x128x256xf32, #tpu.memory_space<vmem>> -> memref<1x128x256xf32, #tpu.memory_space<vmem>>
          %dma_start3A_271 = tpu.memref_squeeze %dma_start3A_270 : memref<1x128x256xf32, #tpu.memory_space<vmem>> -> memref<128x256xf32, #tpu.memory_space<vmem>>
          %dma_start3A_272 = arith.constant 0 : i32
          %dma_start3A_273 = tpu.memref_slice %arg4[%mul3A_267, %dma_start3A_272] : memref<8192x256xf32, #tpu.memory_space<hbm>> -> memref<128x256xf32, #tpu.memory_space<hbm>>
          %dma_start3A_274 = tpu.memref_slice %run_scoped3A_9[%rem3A_265] : memref<2x!tpu.dma_semaphore, #tpu.memory_space<semaphore_mem>> -> memref<1x!tpu.dma_semaphore, #tpu.memory_space<semaphore_mem>>
          %dma_start3A_275 = tpu.memref_squeeze %dma_start3A_274 : memref<1x!tpu.dma_semaphore, #tpu.memory_space<semaphore_mem>> -> memref<!tpu.dma_semaphore, #tpu.memory_space<semaphore_mem>>
          %dma_start3A_276 = arith.constant 0 : i32
          %dma_start3A_277 = tpu.memref_slice %arg4[%mul3A_267, %dma_start3A_276] : memref<8192x256xf32, #tpu.memory_space<hbm>> -> memref<128x256xf32, #tpu.memory_space<hbm>>
          %dma_start3A_278 = arith.constant 0 : i32
          %dma_start3A_279 = arith.constant 0 : i32
          %dma_start3A_280 = tpu.memref_slice %run_scoped3A_8[%rem3A_265, %dma_start3A_278, %dma_start3A_279] : memref<2x128x256xf32, #tpu.memory_space<vmem>> -> memref<1x128x256xf32, #tpu.memory_space<vmem>>
          %dma_start3A_281 = tpu.memref_squeeze %dma_start3A_280 : memref<1x128x256xf32, #tpu.memory_space<vmem>> -> memref<128x256xf32, #tpu.memory_space<vmem>>
          tpu.enqueue_dma source(%dma_start3A_281 : memref<128x256xf32, #tpu.memory_space<vmem>>) target(%dma_start3A_277 : memref<128x256xf32, #tpu.memory_space<hbm>>) target_semaphore(%dma_start3A_275 : memref<!tpu.dma_semaphore, #tpu.memory_space<semaphore_mem>>)
          "tpu.trace_stop"() : () -> ()
        } else {
        }
        %and3A_217 = arith.constant true
        %and3A_218 = arith.andi %or3A_213, %and3A_217 : i1
        %add3A_219 = arith.constant 1 : i32
        %add3A_220 = arith.addi %scan3A_124, %add3A_219 : i32
        %select_n3A_221 = arith.select %and3A_218, %add3A_220, %scan3A_124 : i32
        %ne3A_222 = arith.cmpi ne, %add3A_131, %add3A_140 : i32
        %or3A_223 = arith.constant false
        %or3A_224 = arith.ori %or3A_223, %ne3A_222 : i1
        %not3A_225 = arith.constant true
        %not3A_226 = arith.xori %eq3A_128, %not3A_225 : i1
        %and3A_227 = arith.andi %or3A_224, %not3A_226 : i1
        %convert_element_type3A_228 = arith.extui %and3A_227 : i1 to i32
        %cond3A_229 = arith.constant 0 : i32
        %cond3A_230 = arith.cmpi ne, %convert_element_type3A_228, %cond3A_229 : i32
        scf.if %cond3A_230 {
        } else {
        }
        %and3A_231 = arith.constant false
        %and3A_232 = arith.andi %and3A_227, %and3A_231 : i1
        %ne3A_233 = arith.cmpi ne, %add3A_131, %add3A_140 : i32
        %or3A_234 = arith.constant false
        %or3A_235 = arith.ori %or3A_234, %ne3A_233 : i1
        %or3A_236 = arith.constant false
        %or3A_237 = arith.ori %or3A_235, %or3A_236 : i1
        %not3A_238 = arith.constant true
        %not3A_239 = arith.xori %eq3A_128, %not3A_238 : i1
        %and3A_240 = arith.andi %or3A_237, %not3A_239 : i1
        %convert_element_type3A_241 = arith.extui %and3A_240 : i1 to i32
        %cond3A_242 = arith.constant 0 : i32
        %cond3A_243 = arith.cmpi ne, %convert_element_type3A_241, %cond3A_242 : i32
        scf.if %cond3A_243 {
          "tpu.trace_start"() <{level = 10 : i32, message = "ep_wait_out"}> : () -> ()
          %rem3A_264 = arith.constant 2 : i32
          %rem3A_265 = arith.remui %scan3A_125, %rem3A_264 : i32
          %mul3A_266 = arith.constant 128 : i32
          %mul3A_267 = arith.muli %mul3A_266, %add3A_140 : i32
          %dma_wait3A_268 = arith.constant 0 : i32
          %dma_wait3A_269 = arith.constant 0 : i32
          %dma_wait3A_270 = tpu.memref_slice %run_scoped3A_8[%rem3A_265, %dma_wait3A_268, %dma_wait3A_269] : memref<2x128x256xf32, #tpu.memory_space<vmem>> -> memref<1x128x256xf32, #tpu.memory_space<vmem>>
          %dma_wait3A_271 = tpu.memref_squeeze %dma_wait3A_270 : memref<1x128x256xf32, #tpu.memory_space<vmem>> -> memref<128x256xf32, #tpu.memory_space<vmem>>
          %dma_wait3A_272 = arith.constant 0 : i32
          %dma_wait3A_273 = tpu.memref_slice %arg4[%mul3A_267, %dma_wait3A_272] : memref<8192x256xf32, #tpu.memory_space<hbm>> -> memref<128x256xf32, #tpu.memory_space<hbm>>
          %dma_wait3A_274 = tpu.memref_slice %run_scoped3A_9[%rem3A_265] : memref<2x!tpu.dma_semaphore, #tpu.memory_space<semaphore_mem>> -> memref<1x!tpu.dma_semaphore, #tpu.memory_space<semaphore_mem>>
          %dma_wait3A_275 = tpu.memref_squeeze %dma_wait3A_274 : memref<1x!tpu.dma_semaphore, #tpu.memory_space<semaphore_mem>> -> memref<!tpu.dma_semaphore, #tpu.memory_space<semaphore_mem>>
          %dma_wait3A_276 = arith.constant 0 : i32
          %dma_wait3A_277 = tpu.memref_slice %arg4[%mul3A_267, %dma_wait3A_276] : memref<8192x256xf32, #tpu.memory_space<hbm>> -> memref<128x256xf32, #tpu.memory_space<hbm>>
          %dma_wait3A_278 = arith.constant 0 : i32
          %dma_wait3A_279 = arith.constant 0 : i32
          %dma_wait3A_280 = tpu.memref_slice %run_scoped3A_8[%rem3A_265, %dma_wait3A_278, %dma_wait3A_279] : memref<2x128x256xf32, #tpu.memory_space<vmem>> -> memref<1x128x256xf32, #tpu.memory_space<vmem>>
          %dma_wait3A_281 = tpu.memref_squeeze %dma_wait3A_280 : memref<1x128x256xf32, #tpu.memory_space<vmem>> -> memref<128x256xf32, #tpu.memory_space<vmem>>
          tpu.wait_dma2 semaphore(%dma_wait3A_275 : memref<!tpu.dma_semaphore, #tpu.memory_space<semaphore_mem>>) src(%dma_wait3A_281 : memref<128x256xf32, #tpu.memory_space<vmem>>) dst(%dma_wait3A_277 : memref<128x256xf32, #tpu.memory_space<hbm>>)
          "tpu.trace_stop"() : () -> ()
        } else {
        }
        %and3A_244 = arith.constant true
        %and3A_245 = arith.andi %and3A_240, %and3A_244 : i1
        %add3A_246 = arith.constant 1 : i32
        %add3A_247 = arith.addi %scan3A_125, %add3A_246 : i32
        %select_n3A_248 = arith.select %and3A_245, %add3A_247, %scan3A_125 : i32
        %ne3A_249 = arith.cmpi ne, %add3A_131, %add3A_149 : i32
        %or3A_250 = arith.constant false
        %or3A_251 = arith.ori %or3A_250, %ne3A_249 : i1
        %or3A_252 = arith.ori %or3A_251, %eq3A_130 : i1
        %add3A_253 = arith.constant 1 : i32
        %add3A_254 = arith.addi %scan3A_123, %add3A_253 : i32
        %select_n3A_255 = arith.select %or3A_252, %add3A_254, %scan3A_123 : i32
        %add3A_256 = arith.constant 1 : i32
        %add3A_257 = arith.addi %scan3A_126, %add3A_256 : i32
        %select_n3A_258 = arith.constant true
        %select_n3A_259 = arith.select %select_n3A_258, %add3A_257, %scan3A_126 : i32
        %eq3A_260 = arith.constant 2 : i32
        %eq3A_261 = arith.cmpi eq, %select_n3A_259, %eq3A_260 : i32
        %select_n3A_262 = arith.constant 0 : i32
        %select_n3A_263 = arith.select %eq3A_261, %select_n3A_262, %select_n3A_259 : i32
        scf.yield %select_n3A_167, %select_n3A_255, %select_n3A_221, %select_n3A_248, %select_n3A_263 : i32, i32, i32, i32, i32
      }
      %scan3A_68 = arith.constant 2 : i32
      %sub3A = arith.constant 1 : i32
      %sub3A_69 = arith.subi %scan3A_67#4, %sub3A : i32
      %select_n3A_70 = arith.constant true
      %select_n3A_71 = arith.select %select_n3A_70, %sub3A_69, %scan3A_67#4 : i32
      %eq3A_72 = arith.constant -1 : i32
      %eq3A_73 = arith.cmpi eq, %select_n3A_71, %eq3A_72 : i32
      %select_n3A_74 = arith.constant 1 : i32
      %select_n3A_75 = arith.select %eq3A_73, %select_n3A_74, %select_n3A_71 : i32
      %add3A_76 = arith.addi %select_n3A_75, %mul3A_6 : i32
      %sub3A_77 = arith.constant 1 : i32
      %sub3A_78 = arith.subi %select_n3A_75, %sub3A_77 : i32
      %select_n3A_79 = arith.constant true
      %select_n3A_80 = arith.select %select_n3A_79, %sub3A_78, %select_n3A_75 : i32
      %eq3A_81 = arith.constant -1 : i32
      %eq3A_82 = arith.cmpi eq, %select_n3A_80, %eq3A_81 : i32
      %select_n3A_83 = arith.constant 1 : i32
      %select_n3A_84 = arith.select %eq3A_82, %select_n3A_83, %select_n3A_80 : i32
      %add3A_85 = arith.addi %select_n3A_84, %mul3A_6 : i32
      %add3A_86 = arith.constant 1 : i32
      %add3A_87 = arith.addi %select_n3A_75, %add3A_86 : i32
      %select_n3A_88 = arith.constant true
      %select_n3A_89 = arith.select %select_n3A_88, %add3A_87, %select_n3A_75 : i32
      %eq3A_90 = arith.constant 2 : i32
      %eq3A_91 = arith.cmpi eq, %select_n3A_89, %eq3A_90 : i32
      %select_n3A_92 = arith.constant 0 : i32
      %select_n3A_93 = arith.select %eq3A_91, %select_n3A_92, %select_n3A_89 : i32
      %add3A_94 = arith.addi %select_n3A_93, %mul3A_6 : i32
      %add3A_95 = arith.constant 1 : i32
      %add3A_96 = arith.addi %select_n3A_93, %add3A_95 : i32
      %select_n3A_97 = arith.constant true
      %select_n3A_98 = arith.select %select_n3A_97, %add3A_96, %select_n3A_93 : i32
      %eq3A_99 = arith.constant 2 : i32
      %eq3A_100 = arith.cmpi eq, %select_n3A_98, %eq3A_99 : i32
      %select_n3A_101 = arith.constant 0 : i32
      %select_n3A_102 = arith.select %eq3A_100, %select_n3A_101, %select_n3A_98 : i32
      %add3A_103 = arith.addi %select_n3A_102, %mul3A_6 : i32
      "tpu.trace_start"() <{level = 10 : i32, message = "ep_finalize"}> : () -> ()
      %rem3A_104 = arith.constant 2 : i32
      %rem3A_105 = arith.remui %scan3A_67#3, %rem3A_104 : i32
      %mul3A_106 = arith.constant 128 : i32
      %mul3A_107 = arith.muli %mul3A_106, %add3A_76 : i32
      %dma_wait3A = arith.constant 0 : i32
      %dma_wait3A_108 = arith.constant 0 : i32
      %dma_wait3A_109 = tpu.memref_slice %run_scoped3A_8[%rem3A_105, %dma_wait3A, %dma_wait3A_108] : memref<2x128x256xf32, #tpu.memory_space<vmem>> -> memref<1x128x256xf32, #tpu.memory_space<vmem>>
      %dma_wait3A_110 = tpu.memref_squeeze %dma_wait3A_109 : memref<1x128x256xf32, #tpu.memory_space<vmem>> -> memref<128x256xf32, #tpu.memory_space<vmem>>
      %dma_wait3A_111 = arith.constant 0 : i32
      %dma_wait3A_112 = tpu.memref_slice %arg4[%mul3A_107, %dma_wait3A_111] : memref<8192x256xf32, #tpu.memory_space<hbm>> -> memref<128x256xf32, #tpu.memory_space<hbm>>
      %dma_wait3A_113 = tpu.memref_slice %run_scoped3A_9[%rem3A_105] : memref<2x!tpu.dma_semaphore, #tpu.memory_space<semaphore_mem>> -> memref<1x!tpu.dma_semaphore, #tpu.memory_space<semaphore_mem>>
      %dma_wait3A_114 = tpu.memref_squeeze %dma_wait3A_113 : memref<1x!tpu.dma_semaphore, #tpu.memory_space<semaphore_mem>> -> memref<!tpu.dma_semaphore, #tpu.memory_space<semaphore_mem>>
      %dma_wait3A_115 = arith.constant 0 : i32
      %dma_wait3A_116 = tpu.memref_slice %arg4[%mul3A_107, %dma_wait3A_115] : memref<8192x256xf32, #tpu.memory_space<hbm>> -> memref<128x256xf32, #tpu.memory_space<hbm>>
      %dma_wait3A_117 = arith.constant 0 : i32
      %dma_wait3A_118 = arith.constant 0 : i32
      %dma_wait3A_119 = tpu.memref_slice %run_scoped3A_8[%rem3A_105, %dma_wait3A_117, %dma_wait3A_118] : memref<2x128x256xf32, #tpu.memory_space<vmem>> -> memref<1x128x256xf32, #tpu.memory_space<vmem>>
      %dma_wait3A_120 = tpu.memref_squeeze %dma_wait3A_119 : memref<1x128x256xf32, #tpu.memory_space<vmem>> -> memref<128x256xf32, #tpu.memory_space<vmem>>
      tpu.wait_dma2 semaphore(%dma_wait3A_114 : memref<!tpu.dma_semaphore, #tpu.memory_space<semaphore_mem>>) src(%dma_wait3A_120 : memref<128x256xf32, #tpu.memory_space<vmem>>) dst(%dma_wait3A_116 : memref<128x256xf32, #tpu.memory_space<hbm>>)
      "tpu.trace_stop"() : () -> ()
      tpu.yield
    }) : () -> ()
    return
  }
}

module attributes {stable_mosaic.version = 14 : i64} {
  func.func @_proj_kernel(%arg0: i32, %arg1: memref<1024x256xf32, #tpu.memory_space<vmem>>, %arg2: memref<768x256xf32, #tpu.memory_space<vmem>>, %arg3: memref<1x768xf32, #tpu.memory_space<vmem>>, %arg4: memref<1024x768xf32, #tpu.memory_space<vmem>>) attributes {dimension_semantics = [#tpu.dimension_semantics<arbitrary>], iteration_bounds = array<i64: 8>, scalar_prefetch = 0 : i64, scratch_operands = 0 : i64, tpu.core_type = #tpu.core_type<tc>, window_params = [{transform_indices = @transform_0, window_bounds = array<i64: 1024, 256>}, {pipeline_mode = #tpu.pipeline_mode<synchronous>, transform_indices = @transform_1, window_bounds = array<i64: 768, 256>}, {pipeline_mode = #tpu.pipeline_mode<synchronous>, transform_indices = @transform_2, window_bounds = array<i64: 1, 768>}, {transform_indices = @transform_3, window_bounds = array<i64: 1024, 768>}]} {
    %get3A = arith.constant 0 : index
    %get3A_0 = arith.constant 0 : index
    %get3A_1 = vector.load %arg1[%get3A, %get3A_0] : memref<1024x256xf32, #tpu.memory_space<vmem>>, vector<1024x256xf32>
    %get3A_2 = arith.constant 0 : index
    %get3A_3 = arith.constant 0 : index
    %get3A_4 = vector.load %arg2[%get3A_2, %get3A_3] : memref<768x256xf32, #tpu.memory_space<vmem>>, vector<768x256xf32>
    %dot_general3A = arith.constant dense<0.000000e+00> : vector<1024x768xf32>
    %dot_general3A_5 = tpu.matmul %get3A_1, %get3A_4, %dot_general3A {dimension_numbers = #tpu.dot_dimension_numbers<[1], [1], [0], [0], [0, 0, 1, 0], [], []>, transpose_lhs_hint = false} : vector<1024x256xf32>, vector<768x256xf32>, vector<1024x768xf32> -> vector<1024x768xf32>
    %get3A_6 = arith.constant 0 : index
    %get3A_7 = arith.constant 0 : index
    %get3A_8 = vector.load %arg3[%get3A_6, %get3A_7] : memref<1x768xf32, #tpu.memory_space<vmem>>, vector<1x768xf32>
    %add3A = vector.broadcast %get3A_8 : vector<1x768xf32> to vector<1024x768xf32>
    %add3A_9 = arith.addf %dot_general3A_5, %add3A : vector<1024x768xf32>
    %swap3A = arith.constant 0 : index
    %swap3A_10 = arith.constant 0 : index
    %swap3A_11 = vector.load %arg4[%swap3A, %swap3A_10] : memref<1024x768xf32, #tpu.memory_space<vmem>>, vector<1024x768xf32>
    tpu.vector_store %arg4[%swap3A, %swap3A_10], %add3A_9 {strides = array<i32>} : memref<1024x768xf32, #tpu.memory_space<vmem>>, vector<1024x768xf32>,
    return
  }
  func.func @transform_0(%arg0: i32) -> (i32, i32) {
    %c0_i32 = arith.constant 0 : i32
    %c0_i32_0 = arith.constant 0 : i32
    return %arg0, %c0_i32 : i32, i32
  }
  func.func @transform_1(%arg0: i32) -> (i32, i32) {
    %c0_i32 = arith.constant 0 : i32
    %c0_i32_0 = arith.constant 0 : i32
    %c0_i32_1 = arith.constant 0 : i32
    return %c0_i32, %c0_i32_0 : i32, i32
  }
  func.func @transform_2(%arg0: i32) -> (i32, i32) {
    %c0_i32 = arith.constant 0 : i32
    %c0_i32_0 = arith.constant 0 : i32
    %c0_i32_1 = arith.constant 0 : i32
    return %c0_i32, %c0_i32_0 : i32, i32
  }
  func.func @transform_3(%arg0: i32) -> (i32, i32) {
    %c0_i32 = arith.constant 0 : i32
    %c0_i32_0 = arith.constant 0 : i32
    return %arg0, %c0_i32 : i32, i32
  }
}

module attributes {stable_mosaic.version = 14 : i64} {
  func.func @_argmin_kernel(%arg0: i32, %arg1: memref<512x768xf32, #tpu.memory_space<vmem>>, %arg2: memref<256x768xf32, #tpu.memory_space<any>>, %arg3: memref<1x256xf32, #tpu.memory_space<vmem>>, %arg4: memref<8192x256xf32, #tpu.memory_space<any>>, %arg5: memref<1x1x512xi32, #tpu.memory_space<vmem>>, %arg6: memref<1x1xf32, #tpu.memory_space<vmem>>, %arg7: memref<8192x256xf32, #tpu.memory_space<vmem>>, %arg8: memref<256x768xf32, #tpu.memory_space<vmem>>, %arg9: memref<1x8192xf32, #tpu.memory_space<vmem>>, %arg10: memref<!tpu.dma_semaphore, #tpu.memory_space<semaphore_mem>>) attributes {dimension_semantics = [#tpu.dimension_semantics<arbitrary>], iteration_bounds = array<i64: 16>, scalar_prefetch = 0 : i64, scratch_operands = 4 : i64, tpu.core_type = #tpu.core_type<tc>, window_params = [{transform_indices = @transform_0, window_bounds = array<i64: 512, 768>}, {}, {pipeline_mode = #tpu.pipeline_mode<synchronous>, transform_indices = @transform_2, window_bounds = array<i64: 1, 256>}, {}, {transform_indices = @transform_4, window_bounds = array<i64: 1, 1, 512>}, {pipeline_mode = #tpu.pipeline_mode<synchronous>, transform_indices = @transform_5, window_bounds = array<i64: 1, 1>}]} {
    %eq3A = arith.constant 0 : i32
    %eq3A_0 = arith.cmpi eq, %arg0, %eq3A : i32
    %convert_element_type3A = arith.extui %eq3A_0 : i1 to i32
    %cond3A = arith.constant 0 : i32
    %cond3A_1 = arith.cmpi ne, %convert_element_type3A, %cond3A : i32
    scf.if %cond3A_1 {
      tpu.enqueue_dma source(%arg4 : memref<8192x256xf32, #tpu.memory_space<any>>) target(%arg7 : memref<8192x256xf32, #tpu.memory_space<vmem>>) target_semaphore(%arg10 : memref<!tpu.dma_semaphore, #tpu.memory_space<semaphore_mem>>)
      tpu.enqueue_dma source(%arg2 : memref<256x768xf32, #tpu.memory_space<any>>) target(%arg8 : memref<256x768xf32, #tpu.memory_space<vmem>>) target_semaphore(%arg10 : memref<!tpu.dma_semaphore, #tpu.memory_space<semaphore_mem>>)
      tpu.wait_dma2 semaphore(%arg10 : memref<!tpu.dma_semaphore, #tpu.memory_space<semaphore_mem>>) src(%arg4 : memref<8192x256xf32, #tpu.memory_space<any>>) dst(%arg7 : memref<8192x256xf32, #tpu.memory_space<vmem>>)
      tpu.wait_dma2 semaphore(%arg10 : memref<!tpu.dma_semaphore, #tpu.memory_space<semaphore_mem>>) src(%arg2 : memref<256x768xf32, #tpu.memory_space<any>>) dst(%arg8 : memref<256x768xf32, #tpu.memory_space<vmem>>)
      %broadcast_in_dim3A_750 = arith.constant 1.000000e+00 : f32
      %broadcast_in_dim3A_751 = vector.broadcast %broadcast_in_dim3A_750 : f32 to vector<1x256xf32>
      %get3A_752 = arith.constant 0 : index
      %get3A_753 = arith.constant 0 : index
      %get3A_754 = vector.load %arg7[%get3A_752, %get3A_753] : memref<8192x256xf32, #tpu.memory_space<vmem>>, vector<8192x256xf32>
      %integer_pow3A_755 = arith.mulf %get3A_754, %get3A_754 : vector<8192x256xf32>
      %dot_general3A_756 = arith.constant dense<0.000000e+00> : vector<1x8192xf32>
      %dot_general3A_757 = tpu.matmul %broadcast_in_dim3A_751, %integer_pow3A_755, %dot_general3A_756 {dimension_numbers = #tpu.dot_dimension_numbers<[1], [1], [0], [0], [0, 0, 1, 0], [], []>, transpose_lhs_hint = false} : vector<1x256xf32>, vector<8192x256xf32>, vector<1x8192xf32> -> vector<1x8192xf32>
      %swap3A_758 = arith.constant 0 : index
      %swap3A_759 = arith.constant 0 : index
      %swap3A_760 = vector.load %arg9[%swap3A_758, %swap3A_759] : memref<1x8192xf32, #tpu.memory_space<vmem>>, vector<1x8192xf32>
      tpu.vector_store %arg9[%swap3A_758, %swap3A_759], %dot_general3A_757 {strides = array<i32>} : memref<1x8192xf32, #tpu.memory_space<vmem>>, vector<1x8192xf32>,
      %broadcast_in_dim3A_761 = arith.constant 0.000000e+00 : f32
      %broadcast_in_dim3A_762 = vector.broadcast %broadcast_in_dim3A_761 : f32 to vector<1x1xf32>
      %swap3A_763 = arith.constant 0 : index
      %swap3A_764 = arith.constant 0 : index
      %swap3A_765 = vector.load %arg6[%swap3A_763, %swap3A_764] : memref<1x1xf32, #tpu.memory_space<vmem>>, vector<1x1xf32>
      tpu.vector_store %arg6[%swap3A_763, %swap3A_764], %broadcast_in_dim3A_762 {strides = array<i32>} : memref<1x1xf32, #tpu.memory_space<vmem>>, vector<1x1xf32>,
    } else {
    }
    %get3A = arith.constant 0 : index
    %get3A_2 = arith.constant 0 : index
    %get3A_3 = vector.load %arg1[%get3A, %get3A_2] : memref<512x768xf32, #tpu.memory_space<vmem>>, vector<512x768xf32>
    %get3A_4 = arith.constant 0 : index
    %get3A_5 = arith.constant 0 : index
    %get3A_6 = vector.load %arg8[%get3A_4, %get3A_5] : memref<256x768xf32, #tpu.memory_space<vmem>>, vector<256x768xf32>
    %dot_general3A = arith.constant dense<0.000000e+00> : vector<512x256xf32>
    %dot_general3A_7 = tpu.matmul %get3A_3, %get3A_6, %dot_general3A {dimension_numbers = #tpu.dot_dimension_numbers<[1], [1], [0], [0], [0, 0, 1, 0], [], []>, transpose_lhs_hint = false} : vector<512x768xf32>, vector<256x768xf32>, vector<512x256xf32> -> vector<512x256xf32>
    %get3A_8 = arith.constant 0 : index
    %get3A_9 = arith.constant 0 : index
    %get3A_10 = vector.load %arg3[%get3A_8, %get3A_9] : memref<1x256xf32, #tpu.memory_space<vmem>>, vector<1x256xf32>
    %add3A = vector.broadcast %get3A_10 : vector<1x256xf32> to vector<512x256xf32>
    %add3A_11 = arith.addf %dot_general3A_7, %add3A : vector<512x256xf32>
    %integer_pow3A = arith.mulf %add3A_11, %add3A_11 : vector<512x256xf32>
    %reduce_sum3A = arith.constant dense<0.000000e+00> : vector<512xf32>
    %reduce_sum3A_12 = vector.multi_reduction <add>, %integer_pow3A, %reduce_sum3A [1] : vector<512x256xf32> to vector<512xf32>
    %broadcast_in_dim3A = vector.shape_cast %reduce_sum3A_12 : vector<512xf32> to vector<512x1xf32>
    %mul3A = arith.constant -2.000000e+00 : f32
    %mul3A_13 = vector.broadcast %mul3A : f32 to vector<512x256xf32>
    %mul3A_14 = arith.mulf %mul3A_13, %add3A_11 : vector<512x256xf32>
    %get3A_15 = arith.constant 0 : index
    %get3A_16 = arith.constant 0 : index
    %get3A_17 = vector.load %arg7[%get3A_15, %get3A_16] : memref<8192x256xf32, #tpu.memory_space<vmem>>, vector<8192x256xf32>
    %dot_general3A_18 = arith.constant dense<0.000000e+00> : vector<512x8192xf32>
    %dot_general3A_19 = tpu.matmul %mul3A_14, %get3A_17, %dot_general3A_18 {dimension_numbers = #tpu.dot_dimension_numbers<[1], [1], [0], [0], [0, 0, 1, 0], [], []>, transpose_lhs_hint = false} : vector<512x256xf32>, vector<8192x256xf32>, vector<512x8192xf32> -> vector<512x8192xf32>
    %get3A_20 = arith.constant 0 : index
    %get3A_21 = arith.constant 0 : index
    %get3A_22 = vector.load %arg9[%get3A_20, %get3A_21] : memref<1x8192xf32, #tpu.memory_space<vmem>>, vector<1x8192xf32>
    %slice3A = vector.extract_strided_slice %get3A_22 {offsets = [0, 0], sizes = [1, 128], strides = [1, 1]} : vector<1x8192xf32> to vector<1x128xf32>
    %add3A_23 = vector.broadcast %broadcast_in_dim3A : vector<512x1xf32> to vector<512x128xf32>
    %add3A_24 = vector.broadcast %slice3A : vector<1x128xf32> to vector<512x128xf32>
    %add3A_25 = arith.addf %add3A_23, %add3A_24 : vector<512x128xf32>
    %slice3A_26 = vector.extract_strided_slice %dot_general3A_19 {offsets = [0, 0], sizes = [512, 128], strides = [1, 1]} : vector<512x8192xf32> to vector<512x128xf32>
    %add3A_27 = arith.addf %add3A_25, %slice3A_26 : vector<512x128xf32>
    %broadcast_in_dim3A_28 = arith.constant 0 : i32
    %broadcast_in_dim3A_29 = vector.broadcast %broadcast_in_dim3A_28 : i32 to vector<512x128xi32>
    %slice3A_30 = vector.extract_strided_slice %get3A_22 {offsets = [0, 128], sizes = [1, 128], strides = [1, 1]} : vector<1x8192xf32> to vector<1x128xf32>
    %add3A_31 = vector.broadcast %broadcast_in_dim3A : vector<512x1xf32> to vector<512x128xf32>
    %add3A_32 = vector.broadcast %slice3A_30 : vector<1x128xf32> to vector<512x128xf32>
    %add3A_33 = arith.addf %add3A_31, %add3A_32 : vector<512x128xf32>
    %slice3A_34 = vector.extract_strided_slice %dot_general3A_19 {offsets = [0, 128], sizes = [512, 128], strides = [1, 1]} : vector<512x8192xf32> to vector<512x128xf32>
    %add3A_35 = arith.addf %add3A_33, %slice3A_34 : vector<512x128xf32>
    %lt3A = arith.cmpf olt, %add3A_35, %add3A_27 : vector<512x128xf32>
    %select_n3A = arith.select %lt3A, %add3A_35, %add3A_27 : vector<512x128xi1>, vector<512x128xf32>
    %jit3A = arith.constant 1 : i32
    %broadcast_in_dim3A_36 = vector.broadcast %jit3A : i32 to vector<512x128xi32>
    %select_n3A_37 = arith.select %lt3A, %broadcast_in_dim3A_36, %broadcast_in_dim3A_29 : vector<512x128xi1>, vector<512x128xi32>
    %slice3A_38 = vector.extract_strided_slice %get3A_22 {offsets = [0, 256], sizes = [1, 128], strides = [1, 1]} : vector<1x8192xf32> to vector<1x128xf32>
    %add3A_39 = vector.broadcast %broadcast_in_dim3A : vector<512x1xf32> to vector<512x128xf32>
    %add3A_40 = vector.broadcast %slice3A_38 : vector<1x128xf32> to vector<512x128xf32>
    %add3A_41 = arith.addf %add3A_39, %add3A_40 : vector<512x128xf32>
    %slice3A_42 = vector.extract_strided_slice %dot_general3A_19 {offsets = [0, 256], sizes = [512, 128], strides = [1, 1]} : vector<512x8192xf32> to vector<512x128xf32>
    %add3A_43 = arith.addf %add3A_41, %slice3A_42 : vector<512x128xf32>
    %lt3A_44 = arith.cmpf olt, %add3A_43, %select_n3A : vector<512x128xf32>
    %select_n3A_45 = arith.select %lt3A_44, %add3A_43, %select_n3A : vector<512x128xi1>, vector<512x128xf32>
    %jit3A_46 = arith.constant 2 : i32
    %broadcast_in_dim3A_47 = vector.broadcast %jit3A_46 : i32 to vector<512x128xi32>
    %select_n3A_48 = arith.select %lt3A_44, %broadcast_in_dim3A_47, %select_n3A_37 : vector<512x128xi1>, vector<512x128xi32>
    %slice3A_49 = vector.extract_strided_slice %get3A_22 {offsets = [0, 384], sizes = [1, 128], strides = [1, 1]} : vector<1x8192xf32> to vector<1x128xf32>
    %add3A_50 = vector.broadcast %broadcast_in_dim3A : vector<512x1xf32> to vector<512x128xf32>
    %add3A_51 = vector.broadcast %slice3A_49 : vector<1x128xf32> to vector<512x128xf32>
    %add3A_52 = arith.addf %add3A_50, %add3A_51 : vector<512x128xf32>
    %slice3A_53 = vector.extract_strided_slice %dot_general3A_19 {offsets = [0, 384], sizes = [512, 128], strides = [1, 1]} : vector<512x8192xf32> to vector<512x128xf32>
    %add3A_54 = arith.addf %add3A_52, %slice3A_53 : vector<512x128xf32>
    %lt3A_55 = arith.cmpf olt, %add3A_54, %select_n3A_45 : vector<512x128xf32>
    %select_n3A_56 = arith.select %lt3A_55, %add3A_54, %select_n3A_45 : vector<512x128xi1>, vector<512x128xf32>
    %jit3A_57 = arith.constant 3 : i32
    %broadcast_in_dim3A_58 = vector.broadcast %jit3A_57 : i32 to vector<512x128xi32>
    %select_n3A_59 = arith.select %lt3A_55, %broadcast_in_dim3A_58, %select_n3A_48 : vector<512x128xi1>, vector<512x128xi32>
    %slice3A_60 = vector.extract_strided_slice %get3A_22 {offsets = [0, 512], sizes = [1, 128], strides = [1, 1]} : vector<1x8192xf32> to vector<1x128xf32>
    %add3A_61 = vector.broadcast %broadcast_in_dim3A : vector<512x1xf32> to vector<512x128xf32>
    %add3A_62 = vector.broadcast %slice3A_60 : vector<1x128xf32> to vector<512x128xf32>
    %add3A_63 = arith.addf %add3A_61, %add3A_62 : vector<512x128xf32>
    %slice3A_64 = vector.extract_strided_slice %dot_general3A_19 {offsets = [0, 512], sizes = [512, 128], strides = [1, 1]} : vector<512x8192xf32> to vector<512x128xf32>
    %add3A_65 = arith.addf %add3A_63, %slice3A_64 : vector<512x128xf32>
    %lt3A_66 = arith.cmpf olt, %add3A_65, %select_n3A_56 : vector<512x128xf32>
    %select_n3A_67 = arith.select %lt3A_66, %add3A_65, %select_n3A_56 : vector<512x128xi1>, vector<512x128xf32>
    %jit3A_68 = arith.constant 4 : i32
    %broadcast_in_dim3A_69 = vector.broadcast %jit3A_68 : i32 to vector<512x128xi32>
    %select_n3A_70 = arith.select %lt3A_66, %broadcast_in_dim3A_69, %select_n3A_59 : vector<512x128xi1>, vector<512x128xi32>
    %slice3A_71 = vector.extract_strided_slice %get3A_22 {offsets = [0, 640], sizes = [1, 128], strides = [1, 1]} : vector<1x8192xf32> to vector<1x128xf32>
    %add3A_72 = vector.broadcast %broadcast_in_dim3A : vector<512x1xf32> to vector<512x128xf32>
    %add3A_73 = vector.broadcast %slice3A_71 : vector<1x128xf32> to vector<512x128xf32>
    %add3A_74 = arith.addf %add3A_72, %add3A_73 : vector<512x128xf32>
    %slice3A_75 = vector.extract_strided_slice %dot_general3A_19 {offsets = [0, 640], sizes = [512, 128], strides = [1, 1]} : vector<512x8192xf32> to vector<512x128xf32>
    %add3A_76 = arith.addf %add3A_74, %slice3A_75 : vector<512x128xf32>
    %lt3A_77 = arith.cmpf olt, %add3A_76, %select_n3A_67 : vector<512x128xf32>
    %select_n3A_78 = arith.select %lt3A_77, %add3A_76, %select_n3A_67 : vector<512x128xi1>, vector<512x128xf32>
    %jit3A_79 = arith.constant 5 : i32
    %broadcast_in_dim3A_80 = vector.broadcast %jit3A_79 : i32 to vector<512x128xi32>
    %select_n3A_81 = arith.select %lt3A_77, %broadcast_in_dim3A_80, %select_n3A_70 : vector<512x128xi1>, vector<512x128xi32>
    %slice3A_82 = vector.extract_strided_slice %get3A_22 {offsets = [0, 768], sizes = [1, 128], strides = [1, 1]} : vector<1x8192xf32> to vector<1x128xf32>
    %add3A_83 = vector.broadcast %broadcast_in_dim3A : vector<512x1xf32> to vector<512x128xf32>
    %add3A_84 = vector.broadcast %slice3A_82 : vector<1x128xf32> to vector<512x128xf32>
    %add3A_85 = arith.addf %add3A_83, %add3A_84 : vector<512x128xf32>
    %slice3A_86 = vector.extract_strided_slice %dot_general3A_19 {offsets = [0, 768], sizes = [512, 128], strides = [1, 1]} : vector<512x8192xf32> to vector<512x128xf32>
    %add3A_87 = arith.addf %add3A_85, %slice3A_86 : vector<512x128xf32>
    %lt3A_88 = arith.cmpf olt, %add3A_87, %select_n3A_78 : vector<512x128xf32>
    %select_n3A_89 = arith.select %lt3A_88, %add3A_87, %select_n3A_78 : vector<512x128xi1>, vector<512x128xf32>
    %jit3A_90 = arith.constant 6 : i32
    %broadcast_in_dim3A_91 = vector.broadcast %jit3A_90 : i32 to vector<512x128xi32>
    %select_n3A_92 = arith.select %lt3A_88, %broadcast_in_dim3A_91, %select_n3A_81 : vector<512x128xi1>, vector<512x128xi32>
    %slice3A_93 = vector.extract_strided_slice %get3A_22 {offsets = [0, 896], sizes = [1, 128], strides = [1, 1]} : vector<1x8192xf32> to vector<1x128xf32>
    %add3A_94 = vector.broadcast %broadcast_in_dim3A : vector<512x1xf32> to vector<512x128xf32>
    %add3A_95 = vector.broadcast %slice3A_93 : vector<1x128xf32> to vector<512x128xf32>
    %add3A_96 = arith.addf %add3A_94, %add3A_95 : vector<512x128xf32>
    %slice3A_97 = vector.extract_strided_slice %dot_general3A_19 {offsets = [0, 896], sizes = [512, 128], strides = [1, 1]} : vector<512x8192xf32> to vector<512x128xf32>
    %add3A_98 = arith.addf %add3A_96, %slice3A_97 : vector<512x128xf32>
    %lt3A_99 = arith.cmpf olt, %add3A_98, %select_n3A_89 : vector<512x128xf32>
    %select_n3A_100 = arith.select %lt3A_99, %add3A_98, %select_n3A_89 : vector<512x128xi1>, vector<512x128xf32>
    %jit3A_101 = arith.constant 7 : i32
    %broadcast_in_dim3A_102 = vector.broadcast %jit3A_101 : i32 to vector<512x128xi32>
    %select_n3A_103 = arith.select %lt3A_99, %broadcast_in_dim3A_102, %select_n3A_92 : vector<512x128xi1>, vector<512x128xi32>
    %slice3A_104 = vector.extract_strided_slice %get3A_22 {offsets = [0, 1024], sizes = [1, 128], strides = [1, 1]} : vector<1x8192xf32> to vector<1x128xf32>
    %add3A_105 = vector.broadcast %broadcast_in_dim3A : vector<512x1xf32> to vector<512x128xf32>
    %add3A_106 = vector.broadcast %slice3A_104 : vector<1x128xf32> to vector<512x128xf32>
    %add3A_107 = arith.addf %add3A_105, %add3A_106 : vector<512x128xf32>
    %slice3A_108 = vector.extract_strided_slice %dot_general3A_19 {offsets = [0, 1024], sizes = [512, 128], strides = [1, 1]} : vector<512x8192xf32> to vector<512x128xf32>
    %add3A_109 = arith.addf %add3A_107, %slice3A_108 : vector<512x128xf32>
    %lt3A_110 = arith.cmpf olt, %add3A_109, %select_n3A_100 : vector<512x128xf32>
    %select_n3A_111 = arith.select %lt3A_110, %add3A_109, %select_n3A_100 : vector<512x128xi1>, vector<512x128xf32>
    %jit3A_112 = arith.constant 8 : i32
    %broadcast_in_dim3A_113 = vector.broadcast %jit3A_112 : i32 to vector<512x128xi32>
    %select_n3A_114 = arith.select %lt3A_110, %broadcast_in_dim3A_113, %select_n3A_103 : vector<512x128xi1>, vector<512x128xi32>
    %slice3A_115 = vector.extract_strided_slice %get3A_22 {offsets = [0, 1152], sizes = [1, 128], strides = [1, 1]} : vector<1x8192xf32> to vector<1x128xf32>
    %add3A_116 = vector.broadcast %broadcast_in_dim3A : vector<512x1xf32> to vector<512x128xf32>
    %add3A_117 = vector.broadcast %slice3A_115 : vector<1x128xf32> to vector<512x128xf32>
    %add3A_118 = arith.addf %add3A_116, %add3A_117 : vector<512x128xf32>
    %slice3A_119 = vector.extract_strided_slice %dot_general3A_19 {offsets = [0, 1152], sizes = [512, 128], strides = [1, 1]} : vector<512x8192xf32> to vector<512x128xf32>
    %add3A_120 = arith.addf %add3A_118, %slice3A_119 : vector<512x128xf32>
    %lt3A_121 = arith.cmpf olt, %add3A_120, %select_n3A_111 : vector<512x128xf32>
    %select_n3A_122 = arith.select %lt3A_121, %add3A_120, %select_n3A_111 : vector<512x128xi1>, vector<512x128xf32>
    %jit3A_123 = arith.constant 9 : i32
    %broadcast_in_dim3A_124 = vector.broadcast %jit3A_123 : i32 to vector<512x128xi32>
    %select_n3A_125 = arith.select %lt3A_121, %broadcast_in_dim3A_124, %select_n3A_114 : vector<512x128xi1>, vector<512x128xi32>
    %slice3A_126 = vector.extract_strided_slice %get3A_22 {offsets = [0, 1280], sizes = [1, 128], strides = [1, 1]} : vector<1x8192xf32> to vector<1x128xf32>
    %add3A_127 = vector.broadcast %broadcast_in_dim3A : vector<512x1xf32> to vector<512x128xf32>
    %add3A_128 = vector.broadcast %slice3A_126 : vector<1x128xf32> to vector<512x128xf32>
    %add3A_129 = arith.addf %add3A_127, %add3A_128 : vector<512x128xf32>
    %slice3A_130 = vector.extract_strided_slice %dot_general3A_19 {offsets = [0, 1280], sizes = [512, 128], strides = [1, 1]} : vector<512x8192xf32> to vector<512x128xf32>
    %add3A_131 = arith.addf %add3A_129, %slice3A_130 : vector<512x128xf32>
    %lt3A_132 = arith.cmpf olt, %add3A_131, %select_n3A_122 : vector<512x128xf32>
    %select_n3A_133 = arith.select %lt3A_132, %add3A_131, %select_n3A_122 : vector<512x128xi1>, vector<512x128xf32>
    %jit3A_134 = arith.constant 10 : i32
    %broadcast_in_dim3A_135 = vector.broadcast %jit3A_134 : i32 to vector<512x128xi32>
    %select_n3A_136 = arith.select %lt3A_132, %broadcast_in_dim3A_135, %select_n3A_125 : vector<512x128xi1>, vector<512x128xi32>
    %slice3A_137 = vector.extract_strided_slice %get3A_22 {offsets = [0, 1408], sizes = [1, 128], strides = [1, 1]} : vector<1x8192xf32> to vector<1x128xf32>
    %add3A_138 = vector.broadcast %broadcast_in_dim3A : vector<512x1xf32> to vector<512x128xf32>
    %add3A_139 = vector.broadcast %slice3A_137 : vector<1x128xf32> to vector<512x128xf32>
    %add3A_140 = arith.addf %add3A_138, %add3A_139 : vector<512x128xf32>
    %slice3A_141 = vector.extract_strided_slice %dot_general3A_19 {offsets = [0, 1408], sizes = [512, 128], strides = [1, 1]} : vector<512x8192xf32> to vector<512x128xf32>
    %add3A_142 = arith.addf %add3A_140, %slice3A_141 : vector<512x128xf32>
    %lt3A_143 = arith.cmpf olt, %add3A_142, %select_n3A_133 : vector<512x128xf32>
    %select_n3A_144 = arith.select %lt3A_143, %add3A_142, %select_n3A_133 : vector<512x128xi1>, vector<512x128xf32>
    %jit3A_145 = arith.constant 11 : i32
    %broadcast_in_dim3A_146 = vector.broadcast %jit3A_145 : i32 to vector<512x128xi32>
    %select_n3A_147 = arith.select %lt3A_143, %broadcast_in_dim3A_146, %select_n3A_136 : vector<512x128xi1>, vector<512x128xi32>
    %slice3A_148 = vector.extract_strided_slice %get3A_22 {offsets = [0, 1536], sizes = [1, 128], strides = [1, 1]} : vector<1x8192xf32> to vector<1x128xf32>
    %add3A_149 = vector.broadcast %broadcast_in_dim3A : vector<512x1xf32> to vector<512x128xf32>
    %add3A_150 = vector.broadcast %slice3A_148 : vector<1x128xf32> to vector<512x128xf32>
    %add3A_151 = arith.addf %add3A_149, %add3A_150 : vector<512x128xf32>
    %slice3A_152 = vector.extract_strided_slice %dot_general3A_19 {offsets = [0, 1536], sizes = [512, 128], strides = [1, 1]} : vector<512x8192xf32> to vector<512x128xf32>
    %add3A_153 = arith.addf %add3A_151, %slice3A_152 : vector<512x128xf32>
    %lt3A_154 = arith.cmpf olt, %add3A_153, %select_n3A_144 : vector<512x128xf32>
    %select_n3A_155 = arith.select %lt3A_154, %add3A_153, %select_n3A_144 : vector<512x128xi1>, vector<512x128xf32>
    %jit3A_156 = arith.constant 12 : i32
    %broadcast_in_dim3A_157 = vector.broadcast %jit3A_156 : i32 to vector<512x128xi32>
    %select_n3A_158 = arith.select %lt3A_154, %broadcast_in_dim3A_157, %select_n3A_147 : vector<512x128xi1>, vector<512x128xi32>
    %slice3A_159 = vector.extract_strided_slice %get3A_22 {offsets = [0, 1664], sizes = [1, 128], strides = [1, 1]} : vector<1x8192xf32> to vector<1x128xf32>
    %add3A_160 = vector.broadcast %broadcast_in_dim3A : vector<512x1xf32> to vector<512x128xf32>
    %add3A_161 = vector.broadcast %slice3A_159 : vector<1x128xf32> to vector<512x128xf32>
    %add3A_162 = arith.addf %add3A_160, %add3A_161 : vector<512x128xf32>
    %slice3A_163 = vector.extract_strided_slice %dot_general3A_19 {offsets = [0, 1664], sizes = [512, 128], strides = [1, 1]} : vector<512x8192xf32> to vector<512x128xf32>
    %add3A_164 = arith.addf %add3A_162, %slice3A_163 : vector<512x128xf32>
    %lt3A_165 = arith.cmpf olt, %add3A_164, %select_n3A_155 : vector<512x128xf32>
    %select_n3A_166 = arith.select %lt3A_165, %add3A_164, %select_n3A_155 : vector<512x128xi1>, vector<512x128xf32>
    %jit3A_167 = arith.constant 13 : i32
    %broadcast_in_dim3A_168 = vector.broadcast %jit3A_167 : i32 to vector<512x128xi32>
    %select_n3A_169 = arith.select %lt3A_165, %broadcast_in_dim3A_168, %select_n3A_158 : vector<512x128xi1>, vector<512x128xi32>
    %slice3A_170 = vector.extract_strided_slice %get3A_22 {offsets = [0, 1792], sizes = [1, 128], strides = [1, 1]} : vector<1x8192xf32> to vector<1x128xf32>
    %add3A_171 = vector.broadcast %broadcast_in_dim3A : vector<512x1xf32> to vector<512x128xf32>
    %add3A_172 = vector.broadcast %slice3A_170 : vector<1x128xf32> to vector<512x128xf32>
    %add3A_173 = arith.addf %add3A_171, %add3A_172 : vector<512x128xf32>
    %slice3A_174 = vector.extract_strided_slice %dot_general3A_19 {offsets = [0, 1792], sizes = [512, 128], strides = [1, 1]} : vector<512x8192xf32> to vector<512x128xf32>
    %add3A_175 = arith.addf %add3A_173, %slice3A_174 : vector<512x128xf32>
    %lt3A_176 = arith.cmpf olt, %add3A_175, %select_n3A_166 : vector<512x128xf32>
    %select_n3A_177 = arith.select %lt3A_176, %add3A_175, %select_n3A_166 : vector<512x128xi1>, vector<512x128xf32>
    %jit3A_178 = arith.constant 14 : i32
    %broadcast_in_dim3A_179 = vector.broadcast %jit3A_178 : i32 to vector<512x128xi32>
    %select_n3A_180 = arith.select %lt3A_176, %broadcast_in_dim3A_179, %select_n3A_169 : vector<512x128xi1>, vector<512x128xi32>
    %slice3A_181 = vector.extract_strided_slice %get3A_22 {offsets = [0, 1920], sizes = [1, 128], strides = [1, 1]} : vector<1x8192xf32> to vector<1x128xf32>
    %add3A_182 = vector.broadcast %broadcast_in_dim3A : vector<512x1xf32> to vector<512x128xf32>
    %add3A_183 = vector.broadcast %slice3A_181 : vector<1x128xf32> to vector<512x128xf32>
    %add3A_184 = arith.addf %add3A_182, %add3A_183 : vector<512x128xf32>
    %slice3A_185 = vector.extract_strided_slice %dot_general3A_19 {offsets = [0, 1920], sizes = [512, 128], strides = [1, 1]} : vector<512x8192xf32> to vector<512x128xf32>
    %add3A_186 = arith.addf %add3A_184, %slice3A_185 : vector<512x128xf32>
    %lt3A_187 = arith.cmpf olt, %add3A_186, %select_n3A_177 : vector<512x128xf32>
    %select_n3A_188 = arith.select %lt3A_187, %add3A_186, %select_n3A_177 : vector<512x128xi1>, vector<512x128xf32>
    %jit3A_189 = arith.constant 15 : i32
    %broadcast_in_dim3A_190 = vector.broadcast %jit3A_189 : i32 to vector<512x128xi32>
    %select_n3A_191 = arith.select %lt3A_187, %broadcast_in_dim3A_190, %select_n3A_180 : vector<512x128xi1>, vector<512x128xi32>
    %slice3A_192 = vector.extract_strided_slice %get3A_22 {offsets = [0, 2048], sizes = [1, 128], strides = [1, 1]} : vector<1x8192xf32> to vector<1x128xf32>
    %add3A_193 = vector.broadcast %broadcast_in_dim3A : vector<512x1xf32> to vector<512x128xf32>
    %add3A_194 = vector.broadcast %slice3A_192 : vector<1x128xf32> to vector<512x128xf32>
    %add3A_195 = arith.addf %add3A_193, %add3A_194 : vector<512x128xf32>
    %slice3A_196 = vector.extract_strided_slice %dot_general3A_19 {offsets = [0, 2048], sizes = [512, 128], strides = [1, 1]} : vector<512x8192xf32> to vector<512x128xf32>
    %add3A_197 = arith.addf %add3A_195, %slice3A_196 : vector<512x128xf32>
    %lt3A_198 = arith.cmpf olt, %add3A_197, %select_n3A_188 : vector<512x128xf32>
    %select_n3A_199 = arith.select %lt3A_198, %add3A_197, %select_n3A_188 : vector<512x128xi1>, vector<512x128xf32>
    %jit3A_200 = arith.constant 16 : i32
    %broadcast_in_dim3A_201 = vector.broadcast %jit3A_200 : i32 to vector<512x128xi32>
    %select_n3A_202 = arith.select %lt3A_198, %broadcast_in_dim3A_201, %select_n3A_191 : vector<512x128xi1>, vector<512x128xi32>
    %slice3A_203 = vector.extract_strided_slice %get3A_22 {offsets = [0, 2176], sizes = [1, 128], strides = [1, 1]} : vector<1x8192xf32> to vector<1x128xf32>
    %add3A_204 = vector.broadcast %broadcast_in_dim3A : vector<512x1xf32> to vector<512x128xf32>
    %add3A_205 = vector.broadcast %slice3A_203 : vector<1x128xf32> to vector<512x128xf32>
    %add3A_206 = arith.addf %add3A_204, %add3A_205 : vector<512x128xf32>
    %slice3A_207 = vector.extract_strided_slice %dot_general3A_19 {offsets = [0, 2176], sizes = [512, 128], strides = [1, 1]} : vector<512x8192xf32> to vector<512x128xf32>
    %add3A_208 = arith.addf %add3A_206, %slice3A_207 : vector<512x128xf32>
    %lt3A_209 = arith.cmpf olt, %add3A_208, %select_n3A_199 : vector<512x128xf32>
    %select_n3A_210 = arith.select %lt3A_209, %add3A_208, %select_n3A_199 : vector<512x128xi1>, vector<512x128xf32>
    %jit3A_211 = arith.constant 17 : i32
    %broadcast_in_dim3A_212 = vector.broadcast %jit3A_211 : i32 to vector<512x128xi32>
    %select_n3A_213 = arith.select %lt3A_209, %broadcast_in_dim3A_212, %select_n3A_202 : vector<512x128xi1>, vector<512x128xi32>
    %slice3A_214 = vector.extract_strided_slice %get3A_22 {offsets = [0, 2304], sizes = [1, 128], strides = [1, 1]} : vector<1x8192xf32> to vector<1x128xf32>
    %add3A_215 = vector.broadcast %broadcast_in_dim3A : vector<512x1xf32> to vector<512x128xf32>
    %add3A_216 = vector.broadcast %slice3A_214 : vector<1x128xf32> to vector<512x128xf32>
    %add3A_217 = arith.addf %add3A_215, %add3A_216 : vector<512x128xf32>
    %slice3A_218 = vector.extract_strided_slice %dot_general3A_19 {offsets = [0, 2304], sizes = [512, 128], strides = [1, 1]} : vector<512x8192xf32> to vector<512x128xf32>
    %add3A_219 = arith.addf %add3A_217, %slice3A_218 : vector<512x128xf32>
    %lt3A_220 = arith.cmpf olt, %add3A_219, %select_n3A_210 : vector<512x128xf32>
    %select_n3A_221 = arith.select %lt3A_220, %add3A_219, %select_n3A_210 : vector<512x128xi1>, vector<512x128xf32>
    %jit3A_222 = arith.constant 18 : i32
    %broadcast_in_dim3A_223 = vector.broadcast %jit3A_222 : i32 to vector<512x128xi32>
    %select_n3A_224 = arith.select %lt3A_220, %broadcast_in_dim3A_223, %select_n3A_213 : vector<512x128xi1>, vector<512x128xi32>
    %slice3A_225 = vector.extract_strided_slice %get3A_22 {offsets = [0, 2432], sizes = [1, 128], strides = [1, 1]} : vector<1x8192xf32> to vector<1x128xf32>
    %add3A_226 = vector.broadcast %broadcast_in_dim3A : vector<512x1xf32> to vector<512x128xf32>
    %add3A_227 = vector.broadcast %slice3A_225 : vector<1x128xf32> to vector<512x128xf32>
    %add3A_228 = arith.addf %add3A_226, %add3A_227 : vector<512x128xf32>
    %slice3A_229 = vector.extract_strided_slice %dot_general3A_19 {offsets = [0, 2432], sizes = [512, 128], strides = [1, 1]} : vector<512x8192xf32> to vector<512x128xf32>
    %add3A_230 = arith.addf %add3A_228, %slice3A_229 : vector<512x128xf32>
    %lt3A_231 = arith.cmpf olt, %add3A_230, %select_n3A_221 : vector<512x128xf32>
    %select_n3A_232 = arith.select %lt3A_231, %add3A_230, %select_n3A_221 : vector<512x128xi1>, vector<512x128xf32>
    %jit3A_233 = arith.constant 19 : i32
    %broadcast_in_dim3A_234 = vector.broadcast %jit3A_233 : i32 to vector<512x128xi32>
    %select_n3A_235 = arith.select %lt3A_231, %broadcast_in_dim3A_234, %select_n3A_224 : vector<512x128xi1>, vector<512x128xi32>
    %slice3A_236 = vector.extract_strided_slice %get3A_22 {offsets = [0, 2560], sizes = [1, 128], strides = [1, 1]} : vector<1x8192xf32> to vector<1x128xf32>
    %add3A_237 = vector.broadcast %broadcast_in_dim3A : vector<512x1xf32> to vector<512x128xf32>
    %add3A_238 = vector.broadcast %slice3A_236 : vector<1x128xf32> to vector<512x128xf32>
    %add3A_239 = arith.addf %add3A_237, %add3A_238 : vector<512x128xf32>
    %slice3A_240 = vector.extract_strided_slice %dot_general3A_19 {offsets = [0, 2560], sizes = [512, 128], strides = [1, 1]} : vector<512x8192xf32> to vector<512x128xf32>
    %add3A_241 = arith.addf %add3A_239, %slice3A_240 : vector<512x128xf32>
    %lt3A_242 = arith.cmpf olt, %add3A_241, %select_n3A_232 : vector<512x128xf32>
    %select_n3A_243 = arith.select %lt3A_242, %add3A_241, %select_n3A_232 : vector<512x128xi1>, vector<512x128xf32>
    %jit3A_244 = arith.constant 20 : i32
    %broadcast_in_dim3A_245 = vector.broadcast %jit3A_244 : i32 to vector<512x128xi32>
    %select_n3A_246 = arith.select %lt3A_242, %broadcast_in_dim3A_245, %select_n3A_235 : vector<512x128xi1>, vector<512x128xi32>
    %slice3A_247 = vector.extract_strided_slice %get3A_22 {offsets = [0, 2688], sizes = [1, 128], strides = [1, 1]} : vector<1x8192xf32> to vector<1x128xf32>
    %add3A_248 = vector.broadcast %broadcast_in_dim3A : vector<512x1xf32> to vector<512x128xf32>
    %add3A_249 = vector.broadcast %slice3A_247 : vector<1x128xf32> to vector<512x128xf32>
    %add3A_250 = arith.addf %add3A_248, %add3A_249 : vector<512x128xf32>
    %slice3A_251 = vector.extract_strided_slice %dot_general3A_19 {offsets = [0, 2688], sizes = [512, 128], strides = [1, 1]} : vector<512x8192xf32> to vector<512x128xf32>
    %add3A_252 = arith.addf %add3A_250, %slice3A_251 : vector<512x128xf32>
    %lt3A_253 = arith.cmpf olt, %add3A_252, %select_n3A_243 : vector<512x128xf32>
    %select_n3A_254 = arith.select %lt3A_253, %add3A_252, %select_n3A_243 : vector<512x128xi1>, vector<512x128xf32>
    %jit3A_255 = arith.constant 21 : i32
    %broadcast_in_dim3A_256 = vector.broadcast %jit3A_255 : i32 to vector<512x128xi32>
    %select_n3A_257 = arith.select %lt3A_253, %broadcast_in_dim3A_256, %select_n3A_246 : vector<512x128xi1>, vector<512x128xi32>
    %slice3A_258 = vector.extract_strided_slice %get3A_22 {offsets = [0, 2816], sizes = [1, 128], strides = [1, 1]} : vector<1x8192xf32> to vector<1x128xf32>
    %add3A_259 = vector.broadcast %broadcast_in_dim3A : vector<512x1xf32> to vector<512x128xf32>
    %add3A_260 = vector.broadcast %slice3A_258 : vector<1x128xf32> to vector<512x128xf32>
    %add3A_261 = arith.addf %add3A_259, %add3A_260 : vector<512x128xf32>
    %slice3A_262 = vector.extract_strided_slice %dot_general3A_19 {offsets = [0, 2816], sizes = [512, 128], strides = [1, 1]} : vector<512x8192xf32> to vector<512x128xf32>
    %add3A_263 = arith.addf %add3A_261, %slice3A_262 : vector<512x128xf32>
    %lt3A_264 = arith.cmpf olt, %add3A_263, %select_n3A_254 : vector<512x128xf32>
    %select_n3A_265 = arith.select %lt3A_264, %add3A_263, %select_n3A_254 : vector<512x128xi1>, vector<512x128xf32>
    %jit3A_266 = arith.constant 22 : i32
    %broadcast_in_dim3A_267 = vector.broadcast %jit3A_266 : i32 to vector<512x128xi32>
    %select_n3A_268 = arith.select %lt3A_264, %broadcast_in_dim3A_267, %select_n3A_257 : vector<512x128xi1>, vector<512x128xi32>
    %slice3A_269 = vector.extract_strided_slice %get3A_22 {offsets = [0, 2944], sizes = [1, 128], strides = [1, 1]} : vector<1x8192xf32> to vector<1x128xf32>
    %add3A_270 = vector.broadcast %broadcast_in_dim3A : vector<512x1xf32> to vector<512x128xf32>
    %add3A_271 = vector.broadcast %slice3A_269 : vector<1x128xf32> to vector<512x128xf32>
    %add3A_272 = arith.addf %add3A_270, %add3A_271 : vector<512x128xf32>
    %slice3A_273 = vector.extract_strided_slice %dot_general3A_19 {offsets = [0, 2944], sizes = [512, 128], strides = [1, 1]} : vector<512x8192xf32> to vector<512x128xf32>
    %add3A_274 = arith.addf %add3A_272, %slice3A_273 : vector<512x128xf32>
    %lt3A_275 = arith.cmpf olt, %add3A_274, %select_n3A_265 : vector<512x128xf32>
    %select_n3A_276 = arith.select %lt3A_275, %add3A_274, %select_n3A_265 : vector<512x128xi1>, vector<512x128xf32>
    %jit3A_277 = arith.constant 23 : i32
    %broadcast_in_dim3A_278 = vector.broadcast %jit3A_277 : i32 to vector<512x128xi32>
    %select_n3A_279 = arith.select %lt3A_275, %broadcast_in_dim3A_278, %select_n3A_268 : vector<512x128xi1>, vector<512x128xi32>
    %slice3A_280 = vector.extract_strided_slice %get3A_22 {offsets = [0, 3072], sizes = [1, 128], strides = [1, 1]} : vector<1x8192xf32> to vector<1x128xf32>
    %add3A_281 = vector.broadcast %broadcast_in_dim3A : vector<512x1xf32> to vector<512x128xf32>
    %add3A_282 = vector.broadcast %slice3A_280 : vector<1x128xf32> to vector<512x128xf32>
    %add3A_283 = arith.addf %add3A_281, %add3A_282 : vector<512x128xf32>
    %slice3A_284 = vector.extract_strided_slice %dot_general3A_19 {offsets = [0, 3072], sizes = [512, 128], strides = [1, 1]} : vector<512x8192xf32> to vector<512x128xf32>
    %add3A_285 = arith.addf %add3A_283, %slice3A_284 : vector<512x128xf32>
    %lt3A_286 = arith.cmpf olt, %add3A_285, %select_n3A_276 : vector<512x128xf32>
    %select_n3A_287 = arith.select %lt3A_286, %add3A_285, %select_n3A_276 : vector<512x128xi1>, vector<512x128xf32>
    %jit3A_288 = arith.constant 24 : i32
    %broadcast_in_dim3A_289 = vector.broadcast %jit3A_288 : i32 to vector<512x128xi32>
    %select_n3A_290 = arith.select %lt3A_286, %broadcast_in_dim3A_289, %select_n3A_279 : vector<512x128xi1>, vector<512x128xi32>
    %slice3A_291 = vector.extract_strided_slice %get3A_22 {offsets = [0, 3200], sizes = [1, 128], strides = [1, 1]} : vector<1x8192xf32> to vector<1x128xf32>
    %add3A_292 = vector.broadcast %broadcast_in_dim3A : vector<512x1xf32> to vector<512x128xf32>
    %add3A_293 = vector.broadcast %slice3A_291 : vector<1x128xf32> to vector<512x128xf32>
    %add3A_294 = arith.addf %add3A_292, %add3A_293 : vector<512x128xf32>
    %slice3A_295 = vector.extract_strided_slice %dot_general3A_19 {offsets = [0, 3200], sizes = [512, 128], strides = [1, 1]} : vector<512x8192xf32> to vector<512x128xf32>
    %add3A_296 = arith.addf %add3A_294, %slice3A_295 : vector<512x128xf32>
    %lt3A_297 = arith.cmpf olt, %add3A_296, %select_n3A_287 : vector<512x128xf32>
    %select_n3A_298 = arith.select %lt3A_297, %add3A_296, %select_n3A_287 : vector<512x128xi1>, vector<512x128xf32>
    %jit3A_299 = arith.constant 25 : i32
    %broadcast_in_dim3A_300 = vector.broadcast %jit3A_299 : i32 to vector<512x128xi32>
    %select_n3A_301 = arith.select %lt3A_297, %broadcast_in_dim3A_300, %select_n3A_290 : vector<512x128xi1>, vector<512x128xi32>
    %slice3A_302 = vector.extract_strided_slice %get3A_22 {offsets = [0, 3328], sizes = [1, 128], strides = [1, 1]} : vector<1x8192xf32> to vector<1x128xf32>
    %add3A_303 = vector.broadcast %broadcast_in_dim3A : vector<512x1xf32> to vector<512x128xf32>
    %add3A_304 = vector.broadcast %slice3A_302 : vector<1x128xf32> to vector<512x128xf32>
    %add3A_305 = arith.addf %add3A_303, %add3A_304 : vector<512x128xf32>
    %slice3A_306 = vector.extract_strided_slice %dot_general3A_19 {offsets = [0, 3328], sizes = [512, 128], strides = [1, 1]} : vector<512x8192xf32> to vector<512x128xf32>
    %add3A_307 = arith.addf %add3A_305, %slice3A_306 : vector<512x128xf32>
    %lt3A_308 = arith.cmpf olt, %add3A_307, %select_n3A_298 : vector<512x128xf32>
    %select_n3A_309 = arith.select %lt3A_308, %add3A_307, %select_n3A_298 : vector<512x128xi1>, vector<512x128xf32>
    %jit3A_310 = arith.constant 26 : i32
    %broadcast_in_dim3A_311 = vector.broadcast %jit3A_310 : i32 to vector<512x128xi32>
    %select_n3A_312 = arith.select %lt3A_308, %broadcast_in_dim3A_311, %select_n3A_301 : vector<512x128xi1>, vector<512x128xi32>
    %slice3A_313 = vector.extract_strided_slice %get3A_22 {offsets = [0, 3456], sizes = [1, 128], strides = [1, 1]} : vector<1x8192xf32> to vector<1x128xf32>
    %add3A_314 = vector.broadcast %broadcast_in_dim3A : vector<512x1xf32> to vector<512x128xf32>
    %add3A_315 = vector.broadcast %slice3A_313 : vector<1x128xf32> to vector<512x128xf32>
    %add3A_316 = arith.addf %add3A_314, %add3A_315 : vector<512x128xf32>
    %slice3A_317 = vector.extract_strided_slice %dot_general3A_19 {offsets = [0, 3456], sizes = [512, 128], strides = [1, 1]} : vector<512x8192xf32> to vector<512x128xf32>
    %add3A_318 = arith.addf %add3A_316, %slice3A_317 : vector<512x128xf32>
    %lt3A_319 = arith.cmpf olt, %add3A_318, %select_n3A_309 : vector<512x128xf32>
    %select_n3A_320 = arith.select %lt3A_319, %add3A_318, %select_n3A_309 : vector<512x128xi1>, vector<512x128xf32>
    %jit3A_321 = arith.constant 27 : i32
    %broadcast_in_dim3A_322 = vector.broadcast %jit3A_321 : i32 to vector<512x128xi32>
    %select_n3A_323 = arith.select %lt3A_319, %broadcast_in_dim3A_322, %select_n3A_312 : vector<512x128xi1>, vector<512x128xi32>
    %slice3A_324 = vector.extract_strided_slice %get3A_22 {offsets = [0, 3584], sizes = [1, 128], strides = [1, 1]} : vector<1x8192xf32> to vector<1x128xf32>
    %add3A_325 = vector.broadcast %broadcast_in_dim3A : vector<512x1xf32> to vector<512x128xf32>
    %add3A_326 = vector.broadcast %slice3A_324 : vector<1x128xf32> to vector<512x128xf32>
    %add3A_327 = arith.addf %add3A_325, %add3A_326 : vector<512x128xf32>
    %slice3A_328 = vector.extract_strided_slice %dot_general3A_19 {offsets = [0, 3584], sizes = [512, 128], strides = [1, 1]} : vector<512x8192xf32> to vector<512x128xf32>
    %add3A_329 = arith.addf %add3A_327, %slice3A_328 : vector<512x128xf32>
    %lt3A_330 = arith.cmpf olt, %add3A_329, %select_n3A_320 : vector<512x128xf32>
    %select_n3A_331 = arith.select %lt3A_330, %add3A_329, %select_n3A_320 : vector<512x128xi1>, vector<512x128xf32>
    %jit3A_332 = arith.constant 28 : i32
    %broadcast_in_dim3A_333 = vector.broadcast %jit3A_332 : i32 to vector<512x128xi32>
    %select_n3A_334 = arith.select %lt3A_330, %broadcast_in_dim3A_333, %select_n3A_323 : vector<512x128xi1>, vector<512x128xi32>
    %slice3A_335 = vector.extract_strided_slice %get3A_22 {offsets = [0, 3712], sizes = [1, 128], strides = [1, 1]} : vector<1x8192xf32> to vector<1x128xf32>
    %add3A_336 = vector.broadcast %broadcast_in_dim3A : vector<512x1xf32> to vector<512x128xf32>
    %add3A_337 = vector.broadcast %slice3A_335 : vector<1x128xf32> to vector<512x128xf32>
    %add3A_338 = arith.addf %add3A_336, %add3A_337 : vector<512x128xf32>
    %slice3A_339 = vector.extract_strided_slice %dot_general3A_19 {offsets = [0, 3712], sizes = [512, 128], strides = [1, 1]} : vector<512x8192xf32> to vector<512x128xf32>
    %add3A_340 = arith.addf %add3A_338, %slice3A_339 : vector<512x128xf32>
    %lt3A_341 = arith.cmpf olt, %add3A_340, %select_n3A_331 : vector<512x128xf32>
    %select_n3A_342 = arith.select %lt3A_341, %add3A_340, %select_n3A_331 : vector<512x128xi1>, vector<512x128xf32>
    %jit3A_343 = arith.constant 29 : i32
    %broadcast_in_dim3A_344 = vector.broadcast %jit3A_343 : i32 to vector<512x128xi32>
    %select_n3A_345 = arith.select %lt3A_341, %broadcast_in_dim3A_344, %select_n3A_334 : vector<512x128xi1>, vector<512x128xi32>
    %slice3A_346 = vector.extract_strided_slice %get3A_22 {offsets = [0, 3840], sizes = [1, 128], strides = [1, 1]} : vector<1x8192xf32> to vector<1x128xf32>
    %add3A_347 = vector.broadcast %broadcast_in_dim3A : vector<512x1xf32> to vector<512x128xf32>
    %add3A_348 = vector.broadcast %slice3A_346 : vector<1x128xf32> to vector<512x128xf32>
    %add3A_349 = arith.addf %add3A_347, %add3A_348 : vector<512x128xf32>
    %slice3A_350 = vector.extract_strided_slice %dot_general3A_19 {offsets = [0, 3840], sizes = [512, 128], strides = [1, 1]} : vector<512x8192xf32> to vector<512x128xf32>
    %add3A_351 = arith.addf %add3A_349, %slice3A_350 : vector<512x128xf32>
    %lt3A_352 = arith.cmpf olt, %add3A_351, %select_n3A_342 : vector<512x128xf32>
    %select_n3A_353 = arith.select %lt3A_352, %add3A_351, %select_n3A_342 : vector<512x128xi1>, vector<512x128xf32>
    %jit3A_354 = arith.constant 30 : i32
    %broadcast_in_dim3A_355 = vector.broadcast %jit3A_354 : i32 to vector<512x128xi32>
    %select_n3A_356 = arith.select %lt3A_352, %broadcast_in_dim3A_355, %select_n3A_345 : vector<512x128xi1>, vector<512x128xi32>
    %slice3A_357 = vector.extract_strided_slice %get3A_22 {offsets = [0, 3968], sizes = [1, 128], strides = [1, 1]} : vector<1x8192xf32> to vector<1x128xf32>
    %add3A_358 = vector.broadcast %broadcast_in_dim3A : vector<512x1xf32> to vector<512x128xf32>
    %add3A_359 = vector.broadcast %slice3A_357 : vector<1x128xf32> to vector<512x128xf32>
    %add3A_360 = arith.addf %add3A_358, %add3A_359 : vector<512x128xf32>
    %slice3A_361 = vector.extract_strided_slice %dot_general3A_19 {offsets = [0, 3968], sizes = [512, 128], strides = [1, 1]} : vector<512x8192xf32> to vector<512x128xf32>
    %add3A_362 = arith.addf %add3A_360, %slice3A_361 : vector<512x128xf32>
    %lt3A_363 = arith.cmpf olt, %add3A_362, %select_n3A_353 : vector<512x128xf32>
    %select_n3A_364 = arith.select %lt3A_363, %add3A_362, %select_n3A_353 : vector<512x128xi1>, vector<512x128xf32>
    %jit3A_365 = arith.constant 31 : i32
    %broadcast_in_dim3A_366 = vector.broadcast %jit3A_365 : i32 to vector<512x128xi32>
    %select_n3A_367 = arith.select %lt3A_363, %broadcast_in_dim3A_366, %select_n3A_356 : vector<512x128xi1>, vector<512x128xi32>
    %slice3A_368 = vector.extract_strided_slice %get3A_22 {offsets = [0, 4096], sizes = [1, 128], strides = [1, 1]} : vector<1x8192xf32> to vector<1x128xf32>
    %add3A_369 = vector.broadcast %broadcast_in_dim3A : vector<512x1xf32> to vector<512x128xf32>
    %add3A_370 = vector.broadcast %slice3A_368 : vector<1x128xf32> to vector<512x128xf32>
    %add3A_371 = arith.addf %add3A_369, %add3A_370 : vector<512x128xf32>
    %slice3A_372 = vector.extract_strided_slice %dot_general3A_19 {offsets = [0, 4096], sizes = [512, 128], strides = [1, 1]} : vector<512x8192xf32> to vector<512x128xf32>
    %add3A_373 = arith.addf %add3A_371, %slice3A_372 : vector<512x128xf32>
    %lt3A_374 = arith.cmpf olt, %add3A_373, %select_n3A_364 : vector<512x128xf32>
    %select_n3A_375 = arith.select %lt3A_374, %add3A_373, %select_n3A_364 : vector<512x128xi1>, vector<512x128xf32>
    %jit3A_376 = arith.constant 32 : i32
    %broadcast_in_dim3A_377 = vector.broadcast %jit3A_376 : i32 to vector<512x128xi32>
    %select_n3A_378 = arith.select %lt3A_374, %broadcast_in_dim3A_377, %select_n3A_367 : vector<512x128xi1>, vector<512x128xi32>
    %slice3A_379 = vector.extract_strided_slice %get3A_22 {offsets = [0, 4224], sizes = [1, 128], strides = [1, 1]} : vector<1x8192xf32> to vector<1x128xf32>
    %add3A_380 = vector.broadcast %broadcast_in_dim3A : vector<512x1xf32> to vector<512x128xf32>
    %add3A_381 = vector.broadcast %slice3A_379 : vector<1x128xf32> to vector<512x128xf32>
    %add3A_382 = arith.addf %add3A_380, %add3A_381 : vector<512x128xf32>
    %slice3A_383 = vector.extract_strided_slice %dot_general3A_19 {offsets = [0, 4224], sizes = [512, 128], strides = [1, 1]} : vector<512x8192xf32> to vector<512x128xf32>
    %add3A_384 = arith.addf %add3A_382, %slice3A_383 : vector<512x128xf32>
    %lt3A_385 = arith.cmpf olt, %add3A_384, %select_n3A_375 : vector<512x128xf32>
    %select_n3A_386 = arith.select %lt3A_385, %add3A_384, %select_n3A_375 : vector<512x128xi1>, vector<512x128xf32>
    %jit3A_387 = arith.constant 33 : i32
    %broadcast_in_dim3A_388 = vector.broadcast %jit3A_387 : i32 to vector<512x128xi32>
    %select_n3A_389 = arith.select %lt3A_385, %broadcast_in_dim3A_388, %select_n3A_378 : vector<512x128xi1>, vector<512x128xi32>
    %slice3A_390 = vector.extract_strided_slice %get3A_22 {offsets = [0, 4352], sizes = [1, 128], strides = [1, 1]} : vector<1x8192xf32> to vector<1x128xf32>
    %add3A_391 = vector.broadcast %broadcast_in_dim3A : vector<512x1xf32> to vector<512x128xf32>
    %add3A_392 = vector.broadcast %slice3A_390 : vector<1x128xf32> to vector<512x128xf32>
    %add3A_393 = arith.addf %add3A_391, %add3A_392 : vector<512x128xf32>
    %slice3A_394 = vector.extract_strided_slice %dot_general3A_19 {offsets = [0, 4352], sizes = [512, 128], strides = [1, 1]} : vector<512x8192xf32> to vector<512x128xf32>
    %add3A_395 = arith.addf %add3A_393, %slice3A_394 : vector<512x128xf32>
    %lt3A_396 = arith.cmpf olt, %add3A_395, %select_n3A_386 : vector<512x128xf32>
    %select_n3A_397 = arith.select %lt3A_396, %add3A_395, %select_n3A_386 : vector<512x128xi1>, vector<512x128xf32>
    %jit3A_398 = arith.constant 34 : i32
    %broadcast_in_dim3A_399 = vector.broadcast %jit3A_398 : i32 to vector<512x128xi32>
    %select_n3A_400 = arith.select %lt3A_396, %broadcast_in_dim3A_399, %select_n3A_389 : vector<512x128xi1>, vector<512x128xi32>
    %slice3A_401 = vector.extract_strided_slice %get3A_22 {offsets = [0, 4480], sizes = [1, 128], strides = [1, 1]} : vector<1x8192xf32> to vector<1x128xf32>
    %add3A_402 = vector.broadcast %broadcast_in_dim3A : vector<512x1xf32> to vector<512x128xf32>
    %add3A_403 = vector.broadcast %slice3A_401 : vector<1x128xf32> to vector<512x128xf32>
    %add3A_404 = arith.addf %add3A_402, %add3A_403 : vector<512x128xf32>
    %slice3A_405 = vector.extract_strided_slice %dot_general3A_19 {offsets = [0, 4480], sizes = [512, 128], strides = [1, 1]} : vector<512x8192xf32> to vector<512x128xf32>
    %add3A_406 = arith.addf %add3A_404, %slice3A_405 : vector<512x128xf32>
    %lt3A_407 = arith.cmpf olt, %add3A_406, %select_n3A_397 : vector<512x128xf32>
    %select_n3A_408 = arith.select %lt3A_407, %add3A_406, %select_n3A_397 : vector<512x128xi1>, vector<512x128xf32>
    %jit3A_409 = arith.constant 35 : i32
    %broadcast_in_dim3A_410 = vector.broadcast %jit3A_409 : i32 to vector<512x128xi32>
    %select_n3A_411 = arith.select %lt3A_407, %broadcast_in_dim3A_410, %select_n3A_400 : vector<512x128xi1>, vector<512x128xi32>
    %slice3A_412 = vector.extract_strided_slice %get3A_22 {offsets = [0, 4608], sizes = [1, 128], strides = [1, 1]} : vector<1x8192xf32> to vector<1x128xf32>
    %add3A_413 = vector.broadcast %broadcast_in_dim3A : vector<512x1xf32> to vector<512x128xf32>
    %add3A_414 = vector.broadcast %slice3A_412 : vector<1x128xf32> to vector<512x128xf32>
    %add3A_415 = arith.addf %add3A_413, %add3A_414 : vector<512x128xf32>
    %slice3A_416 = vector.extract_strided_slice %dot_general3A_19 {offsets = [0, 4608], sizes = [512, 128], strides = [1, 1]} : vector<512x8192xf32> to vector<512x128xf32>
    %add3A_417 = arith.addf %add3A_415, %slice3A_416 : vector<512x128xf32>
    %lt3A_418 = arith.cmpf olt, %add3A_417, %select_n3A_408 : vector<512x128xf32>
    %select_n3A_419 = arith.select %lt3A_418, %add3A_417, %select_n3A_408 : vector<512x128xi1>, vector<512x128xf32>
    %jit3A_420 = arith.constant 36 : i32
    %broadcast_in_dim3A_421 = vector.broadcast %jit3A_420 : i32 to vector<512x128xi32>
    %select_n3A_422 = arith.select %lt3A_418, %broadcast_in_dim3A_421, %select_n3A_411 : vector<512x128xi1>, vector<512x128xi32>
    %slice3A_423 = vector.extract_strided_slice %get3A_22 {offsets = [0, 4736], sizes = [1, 128], strides = [1, 1]} : vector<1x8192xf32> to vector<1x128xf32>
    %add3A_424 = vector.broadcast %broadcast_in_dim3A : vector<512x1xf32> to vector<512x128xf32>
    %add3A_425 = vector.broadcast %slice3A_423 : vector<1x128xf32> to vector<512x128xf32>
    %add3A_426 = arith.addf %add3A_424, %add3A_425 : vector<512x128xf32>
    %slice3A_427 = vector.extract_strided_slice %dot_general3A_19 {offsets = [0, 4736], sizes = [512, 128], strides = [1, 1]} : vector<512x8192xf32> to vector<512x128xf32>
    %add3A_428 = arith.addf %add3A_426, %slice3A_427 : vector<512x128xf32>
    %lt3A_429 = arith.cmpf olt, %add3A_428, %select_n3A_419 : vector<512x128xf32>
    %select_n3A_430 = arith.select %lt3A_429, %add3A_428, %select_n3A_419 : vector<512x128xi1>, vector<512x128xf32>
    %jit3A_431 = arith.constant 37 : i32
    %broadcast_in_dim3A_432 = vector.broadcast %jit3A_431 : i32 to vector<512x128xi32>
    %select_n3A_433 = arith.select %lt3A_429, %broadcast_in_dim3A_432, %select_n3A_422 : vector<512x128xi1>, vector<512x128xi32>
    %slice3A_434 = vector.extract_strided_slice %get3A_22 {offsets = [0, 4864], sizes = [1, 128], strides = [1, 1]} : vector<1x8192xf32> to vector<1x128xf32>
    %add3A_435 = vector.broadcast %broadcast_in_dim3A : vector<512x1xf32> to vector<512x128xf32>
    %add3A_436 = vector.broadcast %slice3A_434 : vector<1x128xf32> to vector<512x128xf32>
    %add3A_437 = arith.addf %add3A_435, %add3A_436 : vector<512x128xf32>
    %slice3A_438 = vector.extract_strided_slice %dot_general3A_19 {offsets = [0, 4864], sizes = [512, 128], strides = [1, 1]} : vector<512x8192xf32> to vector<512x128xf32>
    %add3A_439 = arith.addf %add3A_437, %slice3A_438 : vector<512x128xf32>
    %lt3A_440 = arith.cmpf olt, %add3A_439, %select_n3A_430 : vector<512x128xf32>
    %select_n3A_441 = arith.select %lt3A_440, %add3A_439, %select_n3A_430 : vector<512x128xi1>, vector<512x128xf32>
    %jit3A_442 = arith.constant 38 : i32
    %broadcast_in_dim3A_443 = vector.broadcast %jit3A_442 : i32 to vector<512x128xi32>
    %select_n3A_444 = arith.select %lt3A_440, %broadcast_in_dim3A_443, %select_n3A_433 : vector<512x128xi1>, vector<512x128xi32>
    %slice3A_445 = vector.extract_strided_slice %get3A_22 {offsets = [0, 4992], sizes = [1, 128], strides = [1, 1]} : vector<1x8192xf32> to vector<1x128xf32>
    %add3A_446 = vector.broadcast %broadcast_in_dim3A : vector<512x1xf32> to vector<512x128xf32>
    %add3A_447 = vector.broadcast %slice3A_445 : vector<1x128xf32> to vector<512x128xf32>
    %add3A_448 = arith.addf %add3A_446, %add3A_447 : vector<512x128xf32>
    %slice3A_449 = vector.extract_strided_slice %dot_general3A_19 {offsets = [0, 4992], sizes = [512, 128], strides = [1, 1]} : vector<512x8192xf32> to vector<512x128xf32>
    %add3A_450 = arith.addf %add3A_448, %slice3A_449 : vector<512x128xf32>
    %lt3A_451 = arith.cmpf olt, %add3A_450, %select_n3A_441 : vector<512x128xf32>
    %select_n3A_452 = arith.select %lt3A_451, %add3A_450, %select_n3A_441 : vector<512x128xi1>, vector<512x128xf32>
    %jit3A_453 = arith.constant 39 : i32
    %broadcast_in_dim3A_454 = vector.broadcast %jit3A_453 : i32 to vector<512x128xi32>
    %select_n3A_455 = arith.select %lt3A_451, %broadcast_in_dim3A_454, %select_n3A_444 : vector<512x128xi1>, vector<512x128xi32>
    %slice3A_456 = vector.extract_strided_slice %get3A_22 {offsets = [0, 5120], sizes = [1, 128], strides = [1, 1]} : vector<1x8192xf32> to vector<1x128xf32>
    %add3A_457 = vector.broadcast %broadcast_in_dim3A : vector<512x1xf32> to vector<512x128xf32>
    %add3A_458 = vector.broadcast %slice3A_456 : vector<1x128xf32> to vector<512x128xf32>
    %add3A_459 = arith.addf %add3A_457, %add3A_458 : vector<512x128xf32>
    %slice3A_460 = vector.extract_strided_slice %dot_general3A_19 {offsets = [0, 5120], sizes = [512, 128], strides = [1, 1]} : vector<512x8192xf32> to vector<512x128xf32>
    %add3A_461 = arith.addf %add3A_459, %slice3A_460 : vector<512x128xf32>
    %lt3A_462 = arith.cmpf olt, %add3A_461, %select_n3A_452 : vector<512x128xf32>
    %select_n3A_463 = arith.select %lt3A_462, %add3A_461, %select_n3A_452 : vector<512x128xi1>, vector<512x128xf32>
    %jit3A_464 = arith.constant 40 : i32
    %broadcast_in_dim3A_465 = vector.broadcast %jit3A_464 : i32 to vector<512x128xi32>
    %select_n3A_466 = arith.select %lt3A_462, %broadcast_in_dim3A_465, %select_n3A_455 : vector<512x128xi1>, vector<512x128xi32>
    %slice3A_467 = vector.extract_strided_slice %get3A_22 {offsets = [0, 5248], sizes = [1, 128], strides = [1, 1]} : vector<1x8192xf32> to vector<1x128xf32>
    %add3A_468 = vector.broadcast %broadcast_in_dim3A : vector<512x1xf32> to vector<512x128xf32>
    %add3A_469 = vector.broadcast %slice3A_467 : vector<1x128xf32> to vector<512x128xf32>
    %add3A_470 = arith.addf %add3A_468, %add3A_469 : vector<512x128xf32>
    %slice3A_471 = vector.extract_strided_slice %dot_general3A_19 {offsets = [0, 5248], sizes = [512, 128], strides = [1, 1]} : vector<512x8192xf32> to vector<512x128xf32>
    %add3A_472 = arith.addf %add3A_470, %slice3A_471 : vector<512x128xf32>
    %lt3A_473 = arith.cmpf olt, %add3A_472, %select_n3A_463 : vector<512x128xf32>
    %select_n3A_474 = arith.select %lt3A_473, %add3A_472, %select_n3A_463 : vector<512x128xi1>, vector<512x128xf32>
    %jit3A_475 = arith.constant 41 : i32
    %broadcast_in_dim3A_476 = vector.broadcast %jit3A_475 : i32 to vector<512x128xi32>
    %select_n3A_477 = arith.select %lt3A_473, %broadcast_in_dim3A_476, %select_n3A_466 : vector<512x128xi1>, vector<512x128xi32>
    %slice3A_478 = vector.extract_strided_slice %get3A_22 {offsets = [0, 5376], sizes = [1, 128], strides = [1, 1]} : vector<1x8192xf32> to vector<1x128xf32>
    %add3A_479 = vector.broadcast %broadcast_in_dim3A : vector<512x1xf32> to vector<512x128xf32>
    %add3A_480 = vector.broadcast %slice3A_478 : vector<1x128xf32> to vector<512x128xf32>
    %add3A_481 = arith.addf %add3A_479, %add3A_480 : vector<512x128xf32>
    %slice3A_482 = vector.extract_strided_slice %dot_general3A_19 {offsets = [0, 5376], sizes = [512, 128], strides = [1, 1]} : vector<512x8192xf32> to vector<512x128xf32>
    %add3A_483 = arith.addf %add3A_481, %slice3A_482 : vector<512x128xf32>
    %lt3A_484 = arith.cmpf olt, %add3A_483, %select_n3A_474 : vector<512x128xf32>
    %select_n3A_485 = arith.select %lt3A_484, %add3A_483, %select_n3A_474 : vector<512x128xi1>, vector<512x128xf32>
    %jit3A_486 = arith.constant 42 : i32
    %broadcast_in_dim3A_487 = vector.broadcast %jit3A_486 : i32 to vector<512x128xi32>
    %select_n3A_488 = arith.select %lt3A_484, %broadcast_in_dim3A_487, %select_n3A_477 : vector<512x128xi1>, vector<512x128xi32>
    %slice3A_489 = vector.extract_strided_slice %get3A_22 {offsets = [0, 5504], sizes = [1, 128], strides = [1, 1]} : vector<1x8192xf32> to vector<1x128xf32>
    %add3A_490 = vector.broadcast %broadcast_in_dim3A : vector<512x1xf32> to vector<512x128xf32>
    %add3A_491 = vector.broadcast %slice3A_489 : vector<1x128xf32> to vector<512x128xf32>
    %add3A_492 = arith.addf %add3A_490, %add3A_491 : vector<512x128xf32>
    %slice3A_493 = vector.extract_strided_slice %dot_general3A_19 {offsets = [0, 5504], sizes = [512, 128], strides = [1, 1]} : vector<512x8192xf32> to vector<512x128xf32>
    %add3A_494 = arith.addf %add3A_492, %slice3A_493 : vector<512x128xf32>
    %lt3A_495 = arith.cmpf olt, %add3A_494, %select_n3A_485 : vector<512x128xf32>
    %select_n3A_496 = arith.select %lt3A_495, %add3A_494, %select_n3A_485 : vector<512x128xi1>, vector<512x128xf32>
    %jit3A_497 = arith.constant 43 : i32
    %broadcast_in_dim3A_498 = vector.broadcast %jit3A_497 : i32 to vector<512x128xi32>
    %select_n3A_499 = arith.select %lt3A_495, %broadcast_in_dim3A_498, %select_n3A_488 : vector<512x128xi1>, vector<512x128xi32>
    %slice3A_500 = vector.extract_strided_slice %get3A_22 {offsets = [0, 5632], sizes = [1, 128], strides = [1, 1]} : vector<1x8192xf32> to vector<1x128xf32>
    %add3A_501 = vector.broadcast %broadcast_in_dim3A : vector<512x1xf32> to vector<512x128xf32>
    %add3A_502 = vector.broadcast %slice3A_500 : vector<1x128xf32> to vector<512x128xf32>
    %add3A_503 = arith.addf %add3A_501, %add3A_502 : vector<512x128xf32>
    %slice3A_504 = vector.extract_strided_slice %dot_general3A_19 {offsets = [0, 5632], sizes = [512, 128], strides = [1, 1]} : vector<512x8192xf32> to vector<512x128xf32>
    %add3A_505 = arith.addf %add3A_503, %slice3A_504 : vector<512x128xf32>
    %lt3A_506 = arith.cmpf olt, %add3A_505, %select_n3A_496 : vector<512x128xf32>
    %select_n3A_507 = arith.select %lt3A_506, %add3A_505, %select_n3A_496 : vector<512x128xi1>, vector<512x128xf32>
    %jit3A_508 = arith.constant 44 : i32
    %broadcast_in_dim3A_509 = vector.broadcast %jit3A_508 : i32 to vector<512x128xi32>
    %select_n3A_510 = arith.select %lt3A_506, %broadcast_in_dim3A_509, %select_n3A_499 : vector<512x128xi1>, vector<512x128xi32>
    %slice3A_511 = vector.extract_strided_slice %get3A_22 {offsets = [0, 5760], sizes = [1, 128], strides = [1, 1]} : vector<1x8192xf32> to vector<1x128xf32>
    %add3A_512 = vector.broadcast %broadcast_in_dim3A : vector<512x1xf32> to vector<512x128xf32>
    %add3A_513 = vector.broadcast %slice3A_511 : vector<1x128xf32> to vector<512x128xf32>
    %add3A_514 = arith.addf %add3A_512, %add3A_513 : vector<512x128xf32>
    %slice3A_515 = vector.extract_strided_slice %dot_general3A_19 {offsets = [0, 5760], sizes = [512, 128], strides = [1, 1]} : vector<512x8192xf32> to vector<512x128xf32>
    %add3A_516 = arith.addf %add3A_514, %slice3A_515 : vector<512x128xf32>
    %lt3A_517 = arith.cmpf olt, %add3A_516, %select_n3A_507 : vector<512x128xf32>
    %select_n3A_518 = arith.select %lt3A_517, %add3A_516, %select_n3A_507 : vector<512x128xi1>, vector<512x128xf32>
    %jit3A_519 = arith.constant 45 : i32
    %broadcast_in_dim3A_520 = vector.broadcast %jit3A_519 : i32 to vector<512x128xi32>
    %select_n3A_521 = arith.select %lt3A_517, %broadcast_in_dim3A_520, %select_n3A_510 : vector<512x128xi1>, vector<512x128xi32>
    %slice3A_522 = vector.extract_strided_slice %get3A_22 {offsets = [0, 5888], sizes = [1, 128], strides = [1, 1]} : vector<1x8192xf32> to vector<1x128xf32>
    %add3A_523 = vector.broadcast %broadcast_in_dim3A : vector<512x1xf32> to vector<512x128xf32>
    %add3A_524 = vector.broadcast %slice3A_522 : vector<1x128xf32> to vector<512x128xf32>
    %add3A_525 = arith.addf %add3A_523, %add3A_524 : vector<512x128xf32>
    %slice3A_526 = vector.extract_strided_slice %dot_general3A_19 {offsets = [0, 5888], sizes = [512, 128], strides = [1, 1]} : vector<512x8192xf32> to vector<512x128xf32>
    %add3A_527 = arith.addf %add3A_525, %slice3A_526 : vector<512x128xf32>
    %lt3A_528 = arith.cmpf olt, %add3A_527, %select_n3A_518 : vector<512x128xf32>
    %select_n3A_529 = arith.select %lt3A_528, %add3A_527, %select_n3A_518 : vector<512x128xi1>, vector<512x128xf32>
    %jit3A_530 = arith.constant 46 : i32
    %broadcast_in_dim3A_531 = vector.broadcast %jit3A_530 : i32 to vector<512x128xi32>
    %select_n3A_532 = arith.select %lt3A_528, %broadcast_in_dim3A_531, %select_n3A_521 : vector<512x128xi1>, vector<512x128xi32>
    %slice3A_533 = vector.extract_strided_slice %get3A_22 {offsets = [0, 6016], sizes = [1, 128], strides = [1, 1]} : vector<1x8192xf32> to vector<1x128xf32>
    %add3A_534 = vector.broadcast %broadcast_in_dim3A : vector<512x1xf32> to vector<512x128xf32>
    %add3A_535 = vector.broadcast %slice3A_533 : vector<1x128xf32> to vector<512x128xf32>
    %add3A_536 = arith.addf %add3A_534, %add3A_535 : vector<512x128xf32>
    %slice3A_537 = vector.extract_strided_slice %dot_general3A_19 {offsets = [0, 6016], sizes = [512, 128], strides = [1, 1]} : vector<512x8192xf32> to vector<512x128xf32>
    %add3A_538 = arith.addf %add3A_536, %slice3A_537 : vector<512x128xf32>
    %lt3A_539 = arith.cmpf olt, %add3A_538, %select_n3A_529 : vector<512x128xf32>
    %select_n3A_540 = arith.select %lt3A_539, %add3A_538, %select_n3A_529 : vector<512x128xi1>, vector<512x128xf32>
    %jit3A_541 = arith.constant 47 : i32
    %broadcast_in_dim3A_542 = vector.broadcast %jit3A_541 : i32 to vector<512x128xi32>
    %select_n3A_543 = arith.select %lt3A_539, %broadcast_in_dim3A_542, %select_n3A_532 : vector<512x128xi1>, vector<512x128xi32>
    %slice3A_544 = vector.extract_strided_slice %get3A_22 {offsets = [0, 6144], sizes = [1, 128], strides = [1, 1]} : vector<1x8192xf32> to vector<1x128xf32>
    %add3A_545 = vector.broadcast %broadcast_in_dim3A : vector<512x1xf32> to vector<512x128xf32>
    %add3A_546 = vector.broadcast %slice3A_544 : vector<1x128xf32> to vector<512x128xf32>
    %add3A_547 = arith.addf %add3A_545, %add3A_546 : vector<512x128xf32>
    %slice3A_548 = vector.extract_strided_slice %dot_general3A_19 {offsets = [0, 6144], sizes = [512, 128], strides = [1, 1]} : vector<512x8192xf32> to vector<512x128xf32>
    %add3A_549 = arith.addf %add3A_547, %slice3A_548 : vector<512x128xf32>
    %lt3A_550 = arith.cmpf olt, %add3A_549, %select_n3A_540 : vector<512x128xf32>
    %select_n3A_551 = arith.select %lt3A_550, %add3A_549, %select_n3A_540 : vector<512x128xi1>, vector<512x128xf32>
    %jit3A_552 = arith.constant 48 : i32
    %broadcast_in_dim3A_553 = vector.broadcast %jit3A_552 : i32 to vector<512x128xi32>
    %select_n3A_554 = arith.select %lt3A_550, %broadcast_in_dim3A_553, %select_n3A_543 : vector<512x128xi1>, vector<512x128xi32>
    %slice3A_555 = vector.extract_strided_slice %get3A_22 {offsets = [0, 6272], sizes = [1, 128], strides = [1, 1]} : vector<1x8192xf32> to vector<1x128xf32>
    %add3A_556 = vector.broadcast %broadcast_in_dim3A : vector<512x1xf32> to vector<512x128xf32>
    %add3A_557 = vector.broadcast %slice3A_555 : vector<1x128xf32> to vector<512x128xf32>
    %add3A_558 = arith.addf %add3A_556, %add3A_557 : vector<512x128xf32>
    %slice3A_559 = vector.extract_strided_slice %dot_general3A_19 {offsets = [0, 6272], sizes = [512, 128], strides = [1, 1]} : vector<512x8192xf32> to vector<512x128xf32>
    %add3A_560 = arith.addf %add3A_558, %slice3A_559 : vector<512x128xf32>
    %lt3A_561 = arith.cmpf olt, %add3A_560, %select_n3A_551 : vector<512x128xf32>
    %select_n3A_562 = arith.select %lt3A_561, %add3A_560, %select_n3A_551 : vector<512x128xi1>, vector<512x128xf32>
    %jit3A_563 = arith.constant 49 : i32
    %broadcast_in_dim3A_564 = vector.broadcast %jit3A_563 : i32 to vector<512x128xi32>
    %select_n3A_565 = arith.select %lt3A_561, %broadcast_in_dim3A_564, %select_n3A_554 : vector<512x128xi1>, vector<512x128xi32>
    %slice3A_566 = vector.extract_strided_slice %get3A_22 {offsets = [0, 6400], sizes = [1, 128], strides = [1, 1]} : vector<1x8192xf32> to vector<1x128xf32>
    %add3A_567 = vector.broadcast %broadcast_in_dim3A : vector<512x1xf32> to vector<512x128xf32>
    %add3A_568 = vector.broadcast %slice3A_566 : vector<1x128xf32> to vector<512x128xf32>
    %add3A_569 = arith.addf %add3A_567, %add3A_568 : vector<512x128xf32>
    %slice3A_570 = vector.extract_strided_slice %dot_general3A_19 {offsets = [0, 6400], sizes = [512, 128], strides = [1, 1]} : vector<512x8192xf32> to vector<512x128xf32>
    %add3A_571 = arith.addf %add3A_569, %slice3A_570 : vector<512x128xf32>
    %lt3A_572 = arith.cmpf olt, %add3A_571, %select_n3A_562 : vector<512x128xf32>
    %select_n3A_573 = arith.select %lt3A_572, %add3A_571, %select_n3A_562 : vector<512x128xi1>, vector<512x128xf32>
    %jit3A_574 = arith.constant 50 : i32
    %broadcast_in_dim3A_575 = vector.broadcast %jit3A_574 : i32 to vector<512x128xi32>
    %select_n3A_576 = arith.select %lt3A_572, %broadcast_in_dim3A_575, %select_n3A_565 : vector<512x128xi1>, vector<512x128xi32>
    %slice3A_577 = vector.extract_strided_slice %get3A_22 {offsets = [0, 6528], sizes = [1, 128], strides = [1, 1]} : vector<1x8192xf32> to vector<1x128xf32>
    %add3A_578 = vector.broadcast %broadcast_in_dim3A : vector<512x1xf32> to vector<512x128xf32>
    %add3A_579 = vector.broadcast %slice3A_577 : vector<1x128xf32> to vector<512x128xf32>
    %add3A_580 = arith.addf %add3A_578, %add3A_579 : vector<512x128xf32>
    %slice3A_581 = vector.extract_strided_slice %dot_general3A_19 {offsets = [0, 6528], sizes = [512, 128], strides = [1, 1]} : vector<512x8192xf32> to vector<512x128xf32>
    %add3A_582 = arith.addf %add3A_580, %slice3A_581 : vector<512x128xf32>
    %lt3A_583 = arith.cmpf olt, %add3A_582, %select_n3A_573 : vector<512x128xf32>
    %select_n3A_584 = arith.select %lt3A_583, %add3A_582, %select_n3A_573 : vector<512x128xi1>, vector<512x128xf32>
    %jit3A_585 = arith.constant 51 : i32
    %broadcast_in_dim3A_586 = vector.broadcast %jit3A_585 : i32 to vector<512x128xi32>
    %select_n3A_587 = arith.select %lt3A_583, %broadcast_in_dim3A_586, %select_n3A_576 : vector<512x128xi1>, vector<512x128xi32>
    %slice3A_588 = vector.extract_strided_slice %get3A_22 {offsets = [0, 6656], sizes = [1, 128], strides = [1, 1]} : vector<1x8192xf32> to vector<1x128xf32>
    %add3A_589 = vector.broadcast %broadcast_in_dim3A : vector<512x1xf32> to vector<512x128xf32>
    %add3A_590 = vector.broadcast %slice3A_588 : vector<1x128xf32> to vector<512x128xf32>
    %add3A_591 = arith.addf %add3A_589, %add3A_590 : vector<512x128xf32>
    %slice3A_592 = vector.extract_strided_slice %dot_general3A_19 {offsets = [0, 6656], sizes = [512, 128], strides = [1, 1]} : vector<512x8192xf32> to vector<512x128xf32>
    %add3A_593 = arith.addf %add3A_591, %slice3A_592 : vector<512x128xf32>
    %lt3A_594 = arith.cmpf olt, %add3A_593, %select_n3A_584 : vector<512x128xf32>
    %select_n3A_595 = arith.select %lt3A_594, %add3A_593, %select_n3A_584 : vector<512x128xi1>, vector<512x128xf32>
    %jit3A_596 = arith.constant 52 : i32
    %broadcast_in_dim3A_597 = vector.broadcast %jit3A_596 : i32 to vector<512x128xi32>
    %select_n3A_598 = arith.select %lt3A_594, %broadcast_in_dim3A_597, %select_n3A_587 : vector<512x128xi1>, vector<512x128xi32>
    %slice3A_599 = vector.extract_strided_slice %get3A_22 {offsets = [0, 6784], sizes = [1, 128], strides = [1, 1]} : vector<1x8192xf32> to vector<1x128xf32>
    %add3A_600 = vector.broadcast %broadcast_in_dim3A : vector<512x1xf32> to vector<512x128xf32>
    %add3A_601 = vector.broadcast %slice3A_599 : vector<1x128xf32> to vector<512x128xf32>
    %add3A_602 = arith.addf %add3A_600, %add3A_601 : vector<512x128xf32>
    %slice3A_603 = vector.extract_strided_slice %dot_general3A_19 {offsets = [0, 6784], sizes = [512, 128], strides = [1, 1]} : vector<512x8192xf32> to vector<512x128xf32>
    %add3A_604 = arith.addf %add3A_602, %slice3A_603 : vector<512x128xf32>
    %lt3A_605 = arith.cmpf olt, %add3A_604, %select_n3A_595 : vector<512x128xf32>
    %select_n3A_606 = arith.select %lt3A_605, %add3A_604, %select_n3A_595 : vector<512x128xi1>, vector<512x128xf32>
    %jit3A_607 = arith.constant 53 : i32
    %broadcast_in_dim3A_608 = vector.broadcast %jit3A_607 : i32 to vector<512x128xi32>
    %select_n3A_609 = arith.select %lt3A_605, %broadcast_in_dim3A_608, %select_n3A_598 : vector<512x128xi1>, vector<512x128xi32>
    %slice3A_610 = vector.extract_strided_slice %get3A_22 {offsets = [0, 6912], sizes = [1, 128], strides = [1, 1]} : vector<1x8192xf32> to vector<1x128xf32>
    %add3A_611 = vector.broadcast %broadcast_in_dim3A : vector<512x1xf32> to vector<512x128xf32>
    %add3A_612 = vector.broadcast %slice3A_610 : vector<1x128xf32> to vector<512x128xf32>
    %add3A_613 = arith.addf %add3A_611, %add3A_612 : vector<512x128xf32>
    %slice3A_614 = vector.extract_strided_slice %dot_general3A_19 {offsets = [0, 6912], sizes = [512, 128], strides = [1, 1]} : vector<512x8192xf32> to vector<512x128xf32>
    %add3A_615 = arith.addf %add3A_613, %slice3A_614 : vector<512x128xf32>
    %lt3A_616 = arith.cmpf olt, %add3A_615, %select_n3A_606 : vector<512x128xf32>
    %select_n3A_617 = arith.select %lt3A_616, %add3A_615, %select_n3A_606 : vector<512x128xi1>, vector<512x128xf32>
    %jit3A_618 = arith.constant 54 : i32
    %broadcast_in_dim3A_619 = vector.broadcast %jit3A_618 : i32 to vector<512x128xi32>
    %select_n3A_620 = arith.select %lt3A_616, %broadcast_in_dim3A_619, %select_n3A_609 : vector<512x128xi1>, vector<512x128xi32>
    %slice3A_621 = vector.extract_strided_slice %get3A_22 {offsets = [0, 7040], sizes = [1, 128], strides = [1, 1]} : vector<1x8192xf32> to vector<1x128xf32>
    %add3A_622 = vector.broadcast %broadcast_in_dim3A : vector<512x1xf32> to vector<512x128xf32>
    %add3A_623 = vector.broadcast %slice3A_621 : vector<1x128xf32> to vector<512x128xf32>
    %add3A_624 = arith.addf %add3A_622, %add3A_623 : vector<512x128xf32>
    %slice3A_625 = vector.extract_strided_slice %dot_general3A_19 {offsets = [0, 7040], sizes = [512, 128], strides = [1, 1]} : vector<512x8192xf32> to vector<512x128xf32>
    %add3A_626 = arith.addf %add3A_624, %slice3A_625 : vector<512x128xf32>
    %lt3A_627 = arith.cmpf olt, %add3A_626, %select_n3A_617 : vector<512x128xf32>
    %select_n3A_628 = arith.select %lt3A_627, %add3A_626, %select_n3A_617 : vector<512x128xi1>, vector<512x128xf32>
    %jit3A_629 = arith.constant 55 : i32
    %broadcast_in_dim3A_630 = vector.broadcast %jit3A_629 : i32 to vector<512x128xi32>
    %select_n3A_631 = arith.select %lt3A_627, %broadcast_in_dim3A_630, %select_n3A_620 : vector<512x128xi1>, vector<512x128xi32>
    %slice3A_632 = vector.extract_strided_slice %get3A_22 {offsets = [0, 7168], sizes = [1, 128], strides = [1, 1]} : vector<1x8192xf32> to vector<1x128xf32>
    %add3A_633 = vector.broadcast %broadcast_in_dim3A : vector<512x1xf32> to vector<512x128xf32>
    %add3A_634 = vector.broadcast %slice3A_632 : vector<1x128xf32> to vector<512x128xf32>
    %add3A_635 = arith.addf %add3A_633, %add3A_634 : vector<512x128xf32>
    %slice3A_636 = vector.extract_strided_slice %dot_general3A_19 {offsets = [0, 7168], sizes = [512, 128], strides = [1, 1]} : vector<512x8192xf32> to vector<512x128xf32>
    %add3A_637 = arith.addf %add3A_635, %slice3A_636 : vector<512x128xf32>
    %lt3A_638 = arith.cmpf olt, %add3A_637, %select_n3A_628 : vector<512x128xf32>
    %select_n3A_639 = arith.select %lt3A_638, %add3A_637, %select_n3A_628 : vector<512x128xi1>, vector<512x128xf32>
    %jit3A_640 = arith.constant 56 : i32
    %broadcast_in_dim3A_641 = vector.broadcast %jit3A_640 : i32 to vector<512x128xi32>
    %select_n3A_642 = arith.select %lt3A_638, %broadcast_in_dim3A_641, %select_n3A_631 : vector<512x128xi1>, vector<512x128xi32>
    %slice3A_643 = vector.extract_strided_slice %get3A_22 {offsets = [0, 7296], sizes = [1, 128], strides = [1, 1]} : vector<1x8192xf32> to vector<1x128xf32>
    %add3A_644 = vector.broadcast %broadcast_in_dim3A : vector<512x1xf32> to vector<512x128xf32>
    %add3A_645 = vector.broadcast %slice3A_643 : vector<1x128xf32> to vector<512x128xf32>
    %add3A_646 = arith.addf %add3A_644, %add3A_645 : vector<512x128xf32>
    %slice3A_647 = vector.extract_strided_slice %dot_general3A_19 {offsets = [0, 7296], sizes = [512, 128], strides = [1, 1]} : vector<512x8192xf32> to vector<512x128xf32>
    %add3A_648 = arith.addf %add3A_646, %slice3A_647 : vector<512x128xf32>
    %lt3A_649 = arith.cmpf olt, %add3A_648, %select_n3A_639 : vector<512x128xf32>
    %select_n3A_650 = arith.select %lt3A_649, %add3A_648, %select_n3A_639 : vector<512x128xi1>, vector<512x128xf32>
    %jit3A_651 = arith.constant 57 : i32
    %broadcast_in_dim3A_652 = vector.broadcast %jit3A_651 : i32 to vector<512x128xi32>
    %select_n3A_653 = arith.select %lt3A_649, %broadcast_in_dim3A_652, %select_n3A_642 : vector<512x128xi1>, vector<512x128xi32>
    %slice3A_654 = vector.extract_strided_slice %get3A_22 {offsets = [0, 7424], sizes = [1, 128], strides = [1, 1]} : vector<1x8192xf32> to vector<1x128xf32>
    %add3A_655 = vector.broadcast %broadcast_in_dim3A : vector<512x1xf32> to vector<512x128xf32>
    %add3A_656 = vector.broadcast %slice3A_654 : vector<1x128xf32> to vector<512x128xf32>
    %add3A_657 = arith.addf %add3A_655, %add3A_656 : vector<512x128xf32>
    %slice3A_658 = vector.extract_strided_slice %dot_general3A_19 {offsets = [0, 7424], sizes = [512, 128], strides = [1, 1]} : vector<512x8192xf32> to vector<512x128xf32>
    %add3A_659 = arith.addf %add3A_657, %slice3A_658 : vector<512x128xf32>
    %lt3A_660 = arith.cmpf olt, %add3A_659, %select_n3A_650 : vector<512x128xf32>
    %select_n3A_661 = arith.select %lt3A_660, %add3A_659, %select_n3A_650 : vector<512x128xi1>, vector<512x128xf32>
    %jit3A_662 = arith.constant 58 : i32
    %broadcast_in_dim3A_663 = vector.broadcast %jit3A_662 : i32 to vector<512x128xi32>
    %select_n3A_664 = arith.select %lt3A_660, %broadcast_in_dim3A_663, %select_n3A_653 : vector<512x128xi1>, vector<512x128xi32>
    %slice3A_665 = vector.extract_strided_slice %get3A_22 {offsets = [0, 7552], sizes = [1, 128], strides = [1, 1]} : vector<1x8192xf32> to vector<1x128xf32>
    %add3A_666 = vector.broadcast %broadcast_in_dim3A : vector<512x1xf32> to vector<512x128xf32>
    %add3A_667 = vector.broadcast %slice3A_665 : vector<1x128xf32> to vector<512x128xf32>
    %add3A_668 = arith.addf %add3A_666, %add3A_667 : vector<512x128xf32>
    %slice3A_669 = vector.extract_strided_slice %dot_general3A_19 {offsets = [0, 7552], sizes = [512, 128], strides = [1, 1]} : vector<512x8192xf32> to vector<512x128xf32>
    %add3A_670 = arith.addf %add3A_668, %slice3A_669 : vector<512x128xf32>
    %lt3A_671 = arith.cmpf olt, %add3A_670, %select_n3A_661 : vector<512x128xf32>
    %select_n3A_672 = arith.select %lt3A_671, %add3A_670, %select_n3A_661 : vector<512x128xi1>, vector<512x128xf32>
    %jit3A_673 = arith.constant 59 : i32
    %broadcast_in_dim3A_674 = vector.broadcast %jit3A_673 : i32 to vector<512x128xi32>
    %select_n3A_675 = arith.select %lt3A_671, %broadcast_in_dim3A_674, %select_n3A_664 : vector<512x128xi1>, vector<512x128xi32>
    %slice3A_676 = vector.extract_strided_slice %get3A_22 {offsets = [0, 7680], sizes = [1, 128], strides = [1, 1]} : vector<1x8192xf32> to vector<1x128xf32>
    %add3A_677 = vector.broadcast %broadcast_in_dim3A : vector<512x1xf32> to vector<512x128xf32>
    %add3A_678 = vector.broadcast %slice3A_676 : vector<1x128xf32> to vector<512x128xf32>
    %add3A_679 = arith.addf %add3A_677, %add3A_678 : vector<512x128xf32>
    %slice3A_680 = vector.extract_strided_slice %dot_general3A_19 {offsets = [0, 7680], sizes = [512, 128], strides = [1, 1]} : vector<512x8192xf32> to vector<512x128xf32>
    %add3A_681 = arith.addf %add3A_679, %slice3A_680 : vector<512x128xf32>
    %lt3A_682 = arith.cmpf olt, %add3A_681, %select_n3A_672 : vector<512x128xf32>
    %select_n3A_683 = arith.select %lt3A_682, %add3A_681, %select_n3A_672 : vector<512x128xi1>, vector<512x128xf32>
    %jit3A_684 = arith.constant 60 : i32
    %broadcast_in_dim3A_685 = vector.broadcast %jit3A_684 : i32 to vector<512x128xi32>
    %select_n3A_686 = arith.select %lt3A_682, %broadcast_in_dim3A_685, %select_n3A_675 : vector<512x128xi1>, vector<512x128xi32>
    %slice3A_687 = vector.extract_strided_slice %get3A_22 {offsets = [0, 7808], sizes = [1, 128], strides = [1, 1]} : vector<1x8192xf32> to vector<1x128xf32>
    %add3A_688 = vector.broadcast %broadcast_in_dim3A : vector<512x1xf32> to vector<512x128xf32>
    %add3A_689 = vector.broadcast %slice3A_687 : vector<1x128xf32> to vector<512x128xf32>
    %add3A_690 = arith.addf %add3A_688, %add3A_689 : vector<512x128xf32>
    %slice3A_691 = vector.extract_strided_slice %dot_general3A_19 {offsets = [0, 7808], sizes = [512, 128], strides = [1, 1]} : vector<512x8192xf32> to vector<512x128xf32>
    %add3A_692 = arith.addf %add3A_690, %slice3A_691 : vector<512x128xf32>
    %lt3A_693 = arith.cmpf olt, %add3A_692, %select_n3A_683 : vector<512x128xf32>
    %select_n3A_694 = arith.select %lt3A_693, %add3A_692, %select_n3A_683 : vector<512x128xi1>, vector<512x128xf32>
    %jit3A_695 = arith.constant 61 : i32
    %broadcast_in_dim3A_696 = vector.broadcast %jit3A_695 : i32 to vector<512x128xi32>
    %select_n3A_697 = arith.select %lt3A_693, %broadcast_in_dim3A_696, %select_n3A_686 : vector<512x128xi1>, vector<512x128xi32>
    %slice3A_698 = vector.extract_strided_slice %get3A_22 {offsets = [0, 7936], sizes = [1, 128], strides = [1, 1]} : vector<1x8192xf32> to vector<1x128xf32>
    %add3A_699 = vector.broadcast %broadcast_in_dim3A : vector<512x1xf32> to vector<512x128xf32>
    %add3A_700 = vector.broadcast %slice3A_698 : vector<1x128xf32> to vector<512x128xf32>
    %add3A_701 = arith.addf %add3A_699, %add3A_700 : vector<512x128xf32>
    %slice3A_702 = vector.extract_strided_slice %dot_general3A_19 {offsets = [0, 7936], sizes = [512, 128], strides = [1, 1]} : vector<512x8192xf32> to vector<512x128xf32>
    %add3A_703 = arith.addf %add3A_701, %slice3A_702 : vector<512x128xf32>
    %lt3A_704 = arith.cmpf olt, %add3A_703, %select_n3A_694 : vector<512x128xf32>
    %select_n3A_705 = arith.select %lt3A_704, %add3A_703, %select_n3A_694 : vector<512x128xi1>, vector<512x128xf32>
    %jit3A_706 = arith.constant 62 : i32
    %broadcast_in_dim3A_707 = vector.broadcast %jit3A_706 : i32 to vector<512x128xi32>
    %select_n3A_708 = arith.select %lt3A_704, %broadcast_in_dim3A_707, %select_n3A_697 : vector<512x128xi1>, vector<512x128xi32>
    %slice3A_709 = vector.extract_strided_slice %get3A_22 {offsets = [0, 8064], sizes = [1, 128], strides = [1, 1]} : vector<1x8192xf32> to vector<1x128xf32>
    %add3A_710 = vector.broadcast %broadcast_in_dim3A : vector<512x1xf32> to vector<512x128xf32>
    %add3A_711 = vector.broadcast %slice3A_709 : vector<1x128xf32> to vector<512x128xf32>
    %add3A_712 = arith.addf %add3A_710, %add3A_711 : vector<512x128xf32>
    %slice3A_713 = vector.extract_strided_slice %dot_general3A_19 {offsets = [0, 8064], sizes = [512, 128], strides = [1, 1]} : vector<512x8192xf32> to vector<512x128xf32>
    %add3A_714 = arith.addf %add3A_712, %slice3A_713 : vector<512x128xf32>
    %lt3A_715 = arith.cmpf olt, %add3A_714, %select_n3A_705 : vector<512x128xf32>
    %select_n3A_716 = arith.select %lt3A_715, %add3A_714, %select_n3A_705 : vector<512x128xi1>, vector<512x128xf32>
    %jit3A_717 = arith.constant 63 : i32
    %broadcast_in_dim3A_718 = vector.broadcast %jit3A_717 : i32 to vector<512x128xi32>
    %select_n3A_719 = arith.select %lt3A_715, %broadcast_in_dim3A_718, %select_n3A_708 : vector<512x128xi1>, vector<512x128xi32>
    %reduce_min3A = arith.constant dense<0x7F800000> : vector<512xf32>
    %reduce_min3A_720 = vector.multi_reduction <minimumf>, %select_n3A_716, %reduce_min3A [1] : vector<512x128xf32> to vector<512xf32>
    %broadcast_in_dim3A_721 = vector.shape_cast %reduce_min3A_720 : vector<512xf32> to vector<512x1xf32>
    %iota3A = tpu.iota {dimensions = array<i32: 1>} : vector<512x128xi32>
    %eq3A_722 = vector.broadcast %broadcast_in_dim3A_721 : vector<512x1xf32> to vector<512x128xf32>
    %eq3A_723 = arith.cmpf oeq, %select_n3A_716, %eq3A_722 : vector<512x128xf32>
    %mul3A_724 = arith.constant 128 : i32
    %mul3A_725 = vector.broadcast %mul3A_724 : i32 to vector<512x128xi32>
    %mul3A_726 = arith.muli %select_n3A_719, %mul3A_725 : vector<512x128xi32>
    %add3A_727 = arith.addi %mul3A_726, %iota3A : vector<512x128xi32>
    %jit3A_728 = arith.constant 8192 : i32
    %broadcast_in_dim3A_729 = vector.broadcast %jit3A_728 : i32 to vector<512x128xi32>
    %select_n3A_730 = arith.select %eq3A_723, %add3A_727, %broadcast_in_dim3A_729 : vector<512x128xi1>, vector<512x128xi32>
    %reduce_min3A_731 = arith.constant dense<2147483647> : vector<512xi32>
    %reduce_min3A_732 = vector.multi_reduction <minsi>, %select_n3A_730, %reduce_min3A_731 [1] : vector<512x128xi32> to vector<512xi32>
    %swap3A = arith.constant 0 : index
    %swap3A_733 = arith.constant 0 : index
    %swap3A_734 = arith.constant 0 : index
    %swap3A_735 = vector.load %arg5[%swap3A, %swap3A_733, %swap3A_734] : memref<1x1x512xi32, #tpu.memory_space<vmem>>, vector<1x1x512xi32>
    %swap3A_736 = vector.shape_cast %swap3A_735 : vector<1x1x512xi32> to vector<512xi32>
    %swap3A_737 = vector.shape_cast %reduce_min3A_732 : vector<512xi32> to vector<1x1x512xi32>
    tpu.vector_store %arg5[%swap3A, %swap3A_733, %swap3A_734], %swap3A_737 {strides = array<i32>} : memref<1x1x512xi32, #tpu.memory_space<vmem>>, vector<1x1x512xi32>,
    %get3A_738 = arith.constant 0 : index
    %get3A_739 = arith.constant 0 : index
    %get3A_740 = vector.load %arg6[%get3A_738, %get3A_739] : memref<1x1xf32, #tpu.memory_space<vmem>>, vector<1x1xf32>
    %reduce_sum3A_741 = vector.shape_cast %broadcast_in_dim3A_721 : vector<512x1xf32> to vector<1x512x1xf32>
    %reduce_sum3A_742 = arith.constant dense<0.000000e+00> : vector<1xf32>
    %reduce_sum3A_743 = vector.multi_reduction <add>, %reduce_sum3A_741, %reduce_sum3A_742 [1, 2] : vector<1x512x1xf32> to vector<1xf32>
    %reduce_sum3A_744 = vector.shape_cast %reduce_sum3A_743 : vector<1xf32> to vector<1x1x1xf32>
    %reduce_sum3A_745 = vector.extract %reduce_sum3A_744[0, 0, 0] : f32 from vector<1x1x1xf32>
    %reshape3A = vector.broadcast %reduce_sum3A_745 : f32 to vector<1x1xf32>
    %add3A_746 = arith.addf %get3A_740, %reshape3A : vector<1x1xf32>
    %swap3A_747 = arith.constant 0 : index
    %swap3A_748 = arith.constant 0 : index
    %swap3A_749 = vector.load %arg6[%swap3A_747, %swap3A_748] : memref<1x1xf32, #tpu.memory_space<vmem>>, vector<1x1xf32>
    tpu.vector_store %arg6[%swap3A_747, %swap3A_748], %add3A_746 {strides = array<i32>} : memref<1x1xf32, #tpu.memory_space<vmem>>, vector<1x1xf32>,
    return
  }
  func.func @transform_0(%arg0: i32) -> (i32, i32) {
    %c0_i32 = arith.constant 0 : i32
    %c0_i32_0 = arith.constant 0 : i32
    return %arg0, %c0_i32 : i32, i32
  }
  func.func @transform_2(%arg0: i32) -> (i32, i32) {
    %c0_i32 = arith.constant 0 : i32
    %c0_i32_0 = arith.constant 0 : i32
    %c0_i32_1 = arith.constant 0 : i32
    return %c0_i32, %c0_i32_0 : i32, i32
  }
  func.func @transform_4(%arg0: i32) -> (i32, i32, i32) {
    %c0_i32 = arith.constant 0 : i32
    %c0_i32_0 = arith.constant 0 : i32
    %c0_i32_1 = arith.constant 0 : i32
    return %arg0, %c0_i32, %c0_i32_0 : i32, i32, i32
  }
  func.func @transform_5(%arg0: i32) -> (i32, i32) {
    %c0_i32 = arith.constant 0 : i32
    %c0_i32_0 = arith.constant 0 : i32
    %c0_i32_1 = arith.constant 0 : i32
    return %c0_i32, %c0_i32_0 : i32, i32
  }
}

</mosaic_0001>

<sc_bundles>
// kernel: kernel.5.cloned.1.call-start
scs
__scs_entry_jumppad:
0x0: {  	(pc) =	sbr.rel $0x88, $3  }
0x1: {  	(tag) =	ssettag $0x0;
	lr =	simm.s32 $0x1  }
0x2: {  	[smem:$0x3F9B] =	sst lr;
	_ =	strace $0xD0000000  }
0x3: {  	_ = 	snop  }
0x4: {  	_ = 	snop  }
0x5: {  	_ = 	snop  }
0x6: {  	_ = 	snop  }
0x7: {  	_ = 	snop  }
__scs_overlays_trampoline_lowered:
0x8: {  	[smem:$0x3FAA] =	sst s0  }
0x9: {  	[smem:$0x3FAB] =	sst s1  }
0xa: {  	[smem:$0x3FAC] =	sst s2  }
0xb: {  	[smem:$0x3FAD] =	sst s3  }
0xc: {  	[smem:$0x3FAE] =	sst s4  }
0xd: {  	[smem:$0x3FAF] =	sst s5  }
0xe: {  	[smem:$0x3FB0] =	sst s6  }
0xf: {  	[smem:$0x3FB1] =	sst s7  }
0x10: {  	[smem:$0x3FB2] =	sst s8  }
0x11: {  	[smem:$0x3FB3] =	sst s9;
	s0 =	simm.s32 @!p0 $0x0  }
0x12: {  	s1 =	sld [smem:$0x3F99];
	s0 =	simm.s32 @p0 $0x1  }
0x13: {  	[smem:$0x3FB4] =	sst s0;
	s0 =	simm.s32 @!p1 $0x0  }
0x14: {  	s2 =	sld [smem:$0x3F98];
	s0 =	simm.s32 @p1 $0x1  }
0x15: {  	[smem:$0x3FB5] =	sst s0;
	s0 =	simm.s32 @!p2 $0x0  }
0x16: {  	s3 =	sld [smem:$0x3FDB];
	s0 =	simm.s32 @p2 $0x1  }
0x17: {  	s4 =	simm.s32 $0x1BF5;
	[smem:$0x3FB7] =	sst s0  }
0x18: {  	s0 =	sld [smem:$0x3F9A];
	_ =	swait.ge [sflag:s4], $0x0  }
0x19: {  	s7 =	sld [smem:$0x3F9B]  }
0x1a: {  	s8 =	sadd.s32 $0xFFFFE003, lr  }
0x1b: {  	s9 =	sadd.s32 $0xFFFFFEF7, lr;
	s5 =	simm.s32 $0xFFFFFFFF;
	p2 =	slt.u32 s8, $0xFFFFF086  }
0x1c: {  	p1 =	slt.u32 s9, $0xF7A;
	s5 =	simm.s32 @!p2 $0x0  }
0x1d: {  	s5 =	simm.s32 @p1 $0x1;
	p0 =	seq.s32 s7, s2  }
0x1e: {  	s7 =	smul.u32 @!p0 $0xF7A, s2;
	p2 =	seq.s32 @!p0 s5, $0x0  }
0x1f: {  	s9 =	smul.u32 $0xF7A, s1;
	s8 =	simm.s32 @!p0 $0x1BF5;
	p2 =	por !p2, p0  }
0x20: {  	[sflag:s8] =	ssyncset.s32 @!p0 $0xFFFFF086;
	s6 =	sadd.s32 @!p0 s3, s7;
	s7 =	simm.s32 @!p0 $0x108  }
0x21: {  	s3 =	sadd.s32 s3, s9;
	s6 =	sadd.s32 @!p0 $0x88, s6;
	s7 =	simm.s32 @p2 $0x1082  }
0x22: {  	[simem:s7], [sflag:s8] =	dma.local @!p0 [hbm:s6], $0xF7A  }
0x23: {  	s9 =	sor.u32 $0xD0000000, s2;
	s6 =	simm.s32 $0x108;
	_ =	swait.ge @!p0 [sflag:s8], $0x0  }
0x24: {  	s3 =	sadd.s32 $0x88, s3;
	s6 =	simm.s32 @!p1 $0x1082;
	[sflag:s4] =	ssyncset.s32 $0xFFFFF086  }
0x25: {  	[simem:s6], [sflag:s4] =	dma.local [hbm:s3], $0xF7A  }
0x26: {  	[smem:$0x3F9B] =	sst s1;
	(tag) =	ssettag s2;
	_ =	strace s9  }
0x27: {  	s1 =	sld [smem:$0x3FAB]  }
0x28: {  	s2 =	sld [smem:$0x3FAC]  }
0x29: {  	s4 =	sld [smem:$0x3FAE]  }
0x2a: {  	p0 =	seq.s32 s5, $0x0;
	s5 =	sld [smem:$0x3FAF]  }
0x2b: {  	s6 =	sld [smem:$0x3FB0]  }
0x2c: {  	s7 =	sld [smem:$0x3FB1]  }
0x2d: {  	s3 =	simm.s32 $0x108;
	s8 =	sld [smem:$0x3FB2]  }
0x2e: {  	s3 =	simm.s32 @!p0 $0x1082;
	s9 =	sld [smem:$0x3FB3]  }
0x2f: {  	lr =	sadd.s32 s0, s3;
	s0 =	sld [smem:$0x3FAA]  }
0x30: {  	s3 =	sld [smem:$0x3FAD]  }
0x31: {  	[smem:$0x3FB6] =	sst s10  }
0x32: {  	s10 =	sld [smem:$0x3FB4];
	_ =	sdelay $0x3  }
0x33: {  	p0 =	seq.s32 s10, $0x1;
	s10 =	sld [smem:$0x3FB6];
	_ =	sdelay $0x3  }
0x34: {  	[smem:$0x3FB6] =	sst s10  }
0x35: {  	s10 =	sld [smem:$0x3FB5];
	_ =	sdelay $0x3  }
0x36: {  	p1 =	seq.s32 s10, $0x1;
	s10 =	sld [smem:$0x3FB6];
	_ =	sdelay $0x3  }
0x37: {  	[smem:$0x3FB6] =	sst s10  }
0x38: {  	s10 =	sld [smem:$0x3FB7]  }
0x39: {  	_ = 	snop;
	(pc) =	sbr.ind lr, $3  }
0x3a: {  	_ = 	snop  }
0x3b: {  	_ = 	snop  }
0x3c: {  	p2 =	seq.s32 s10, $0x1;
	s10 =	sld [smem:$0x3FB6]  }
0x3d: {  	_ =	shalt  }
0x3e: {  	_ =	shalt  }
0x3f: {  	_ =	shalt  }
0x40: {  	_ =	shalt  }
0x41: {  	_ =	shalt  }
0x42: {  	_ =	shalt  }
0x43: {  	_ =	shalt  }
0x44: {  	_ =	shalt  }
0x45: {  	_ =	shalt  }
0x46: {  	_ =	shalt  }
0x47: {  	_ =	shalt  }
0x48: {  	_ =	shalt  }
0x49: {  	_ =	shalt  }
0x4a: {  	_ =	shalt  }
0x4b: {  	_ =	shalt  }
0x4c: {  	_ =	shalt  }
0x4d: {  	_ =	shalt  }
0x4e: {  	_ =	shalt  }
0x4f: {  	_ =	shalt  }
0x50: {  	_ =	shalt  }
0x51: {  	_ =	shalt  }
0x52: {  	_ =	shalt  }
0x53: {  	_ =	shalt  }
0x54: {  	_ =	shalt  }
0x55: {  	_ =	shalt  }
0x56: {  	_ =	shalt  }
0x57: {  	_ =	shalt  }
0x58: {  	_ =	shalt  }
0x59: {  	_ =	shalt  }
0x5a: {  	_ =	shalt  }
0x5b: {  	_ =	shalt  }
0x5c: {  	_ =	shalt  }
0x5d: {  	_ =	shalt  }
0x5e: {  	_ =	shalt  }
0x5f: {  	_ =	shalt  }
0x60: {  	_ =	shalt  }
0x61: {  	_ =	shalt  }
0x62: {  	_ =	shalt  }
0x63: {  	_ =	shalt  }
0x64: {  	_ =	shalt  }
0x65: {  	_ =	shalt  }
0x66: {  	_ =	shalt  }
0x67: {  	_ =	shalt  }
0x68: {  	_ =	shalt  }
0x69: {  	_ =	shalt  }
0x6a: {  	_ =	shalt  }
0x6b: {  	_ =	shalt  }
0x6c: {  	_ =	shalt  }
0x6d: {  	_ =	shalt  }
0x6e: {  	_ =	shalt  }
0x6f: {  	_ =	shalt  }
0x70: {  	_ =	shalt  }
0x71: {  	_ =	shalt  }
0x72: {  	_ =	shalt  }
0x73: {  	_ =	shalt  }
0x74: {  	_ =	shalt  }
0x75: {  	_ =	shalt  }
0x76: {  	_ =	shalt  }
0x77: {  	_ =	shalt  }
0x78: {  	_ =	shalt  }
0x79: {  	_ =	shalt  }
0x7a: {  	_ =	shalt  }
0x7b: {  	_ =	shalt  }
0x7c: {  	_ =	shalt  }
0x7d: {  	_ =	shalt  }
0x7e: {  	_ =	shalt  }
0x7f: {  	_ =	shalt  }
0x80: {  	_ =	shalt  }
0x81: {  	_ =	shalt  }
0x82: {  	_ =	shalt  }
0x83: {  	_ =	shalt  }
0x84: {  	_ =	shalt  }
0x85: {  	_ =	shalt  }
0x86: {  	_ =	shalt  }
0x87: {  	_ =	shalt  }
.Lfunc_end0:
.L_simem_size_0:
called_computation_lowered:
.L_overlay_start_0:
0x88: {  	s2 =	sld [smem:$0x3FD9]  }
0x89: {  	s3 =	sld [smem:$0x3FFE];
	_ =	sdelay $0x1  }
0x8a: {  	s1 =	srdreg.scid  }
0x8b: {  	s0 =	sand.u32 $0x1, s1  }
0x8c: {  	s14 =	sshll.u32 s0, $0xA;
	s2 =	sadd.s32 s3, s2  }
0x8d: {  	s2 =	sadd.s32 s2, s14  }
0x8e: {  	[smem:$0x3FC2] =	sst s2  }
0x8f: {  	_ = 	snop  }
0x90: {  	s2 =	sld [smem:$0x3FD0];
	_ =	sdelay $0x2  }
0x91: {  	s4 =	simm.s32 $0xA;
	s5 =	simm.s32 $0x10;
	s15 =	sld [smem:$0x3FC6]  }
0x92: {  	[smem:s5], [sflag:s4] =	dma.local [hbm:s2], $0x1  }
0x93: {  	_ =	swait.eq [sflag:s4], $0x1  }
0x94: {  	[sflag:s4] =	ssyncset.done $0x0  }
0x95: {  	[sflag:s4] =	ssyncadd.s32 $0xFFFFFFFF  }
0x96: {  	s16 =	sld [smem:$0x10];
	(tm) =	ssettm $0x1  }
0x97: {  	s17 =	sld [smem:$0x3FFB];
	_ =	sdelay $0x3  }
0x98: {  	_ =	strace s17  }
0x99: {  	s4 =	sld [smem:$0x3FFC];
	_ =	sdelay $0x3  }
0x9a: {  	_ =	strace s4  }
0x9b: {  	s4 =	sld [smem:$0x3FFD];
	_ =	sdelay $0x3  }
0x9c: {  	_ =	strace s4  }
0x9d: {  	_ =	strace $0x8FFFFFFF  }
0x9e: {  	s18 =	sld [smem:$0x3FDB];
	_ =	sdelay $0x1  }
0x9f: {  	s19 =	simm.s32 $_scs_section_size  }
0xa0: {  	s6 =	simm.s32 $_size__tile_overlayer_lowered;
	s7 =	simm.s32 $_tile_overlayer_lowered  }
0xa1: {  	s22 =	simm.s32 $0x1BFF;
	s21 =	sshll.u32 s7, $0x1;
	s4 =	sadd.s32 s19, s18  }
0xa2: {  	s8 =	simm.s32 $0x0;
	s20 =	sshll.u32 s6, $0x1;
	s6 =	sadd.s32 s21, s4  }
0xa3: {  	[timem:s8], [sflag:s22] =	dma.local [hbm:s6], s20  }
0xa4: {  	_ =	swait.ge [sflag:s22], s20  }
0xa5: {  	s5 =	ssub.s32 $0x0, s20;
	[sflag:s22] =	ssyncset.done $0x0  }
0xa6: {  	[sflag:s22] =	ssyncadd.s32 s5;
	_ =	sdelay $0x1  }
0xa7: {  	s23 =	simm.s32 $0x1B8B  }
0xa8: {  	_ =	swait.ge [sflag:s23], $0x1  }
0xa9: {  	[sflag:s23] =	ssyncset.done $0x0  }
0xaa: {  	s25 =	simm.s32 $0x1B8E;
	s24 =	sld [smem:$0x3FFE];
	[sflag:s23] =	ssyncadd.s32 $0xFFFFFFFF  }
0xab: {  	s26 =	simm.s32 $execute0_lowered;
	[smem:$0x3FD2] =	sst s25  }
0xac: {  	s6 =	sshll.u32 s26, $0x1;
	_ =	strace $0x80000046;
	[dreg:$0x1] =	wrdreg $0xFFFFFFFF  }
0xad: {  	s28 =	simm.s32 $_size_execute0_lowered;
	s4 =	sadd.s32 s4, s6;
	[dreg:$0x0] =	wrdreg $0x0  }
0xae: {  	s6 =	sshll.u32 s28, $0x1;
	[dreg:$0x2] =	wrdreg s4  }
0xaf: {  	[dreg:$0x3] =	wrdreg s6  }
0xb0: {  	[dreg:$0x4] =	wrdreg $0xC0  }
0xb1: {  	_ =	task [dreg:s8], $0x5FFFF  }
0xb2: {  	[dreg:$0x1] =	wrdreg $0xFFFFFFFF  }
0xb3: {  	[dreg:$0x0] =	wrdreg $0x60  }
0xb4: {  	[dreg:$0x2] =	wrdreg s15  }
0xb5: {  	[dreg:$0x3] =	wrdreg s24  }
0xb6: {  	[dreg:$0x4] =	wrdreg s16  }
0xb7: {  	[dreg:$0x5] =	wrdreg $0x9  }
0xb8: {  	_ =	task.clear_ibuf [dreg:s8], $0x6FFFF;
	_ =	strace $0x90000046  }
0xb9: {  	s29 =	simm.s32 $0x9;
	_ =	strace $0x8000004F  }
0xba: {  	_ =	swait.ge [sflag:s29], $0x1  }
0xbb: {  	[sflag:s29] =	ssyncadd.s32 $0xFFFFFFFF  }
0xbc: {  	_ =	strace $0x9000004F  }
0xbd: {  	_ =	sfence  }
0xbe: {  	s30 =	sld [smem:$0x0];
	_ =	sdelay $0x2  }
0xbf: {  	s31 =	sshll.u32 s1, $0xD;
	s1 =	sshrl.u32 s1, $0x2  }
0xc0: {  	s3 =	sand.u32 $0x4000, s31;
	s1 =	sadd.s32 s1, s30  }
0xc1: {  	s0 =	sor.u32 s3, s0;
	s1 =	sshll.u32 s1, $0x11  }
0xc2: {  	s0 =	sor.u32 s1, s0  }
0xc3: {  	s0 =	sadd.s32 $0x8F2B, s0  }
0xc4: {  	[sflag:s0] =	ssyncadd.remote.s32 $0x1  }
0xc5: {  	_ =	sfence.sel $0xFFFF  }
0xc6: {  	[dreg:$0x0] =	wrdreg $0xFFFFFFFF;
	(pc) =	sbr.abs _section_cstart, $3  }
0xc7: {  	[dreg:$0x1] =	wrdreg $0xFFFFFFFF  }
0xc8: {  	_ =	task.clear_ibuf [dreg:s8], $0x2FFFF;
	_ =	strace $0x9FFFFFFF  }
0xc9: {  	(tm) =	ssettm $0x7FFFFFFF  }
tec
execute0_lowered:
.L_overlay_start_1:
0x0: {  	(tag) =	ssettag $0x1  }
0x1: {  	s1 =	rddreg [dreg:$0x0]  }
0x2: {  	s5 =	rddreg [dreg:$0x1]  }
0x3: {  	s2 =	rddreg [dreg:$0x2]  }
0x4: {  	s0 =	rddreg [dreg:$0x3];
	s4 =	simm.s32 $0x0;
	s3 =	srdreg.scid  }
0x5: {  	s9 =	simm.s32 $0x5;
	s10 =	simm.s32 $0x4;
	s11 =	simm.s32 $0x0  }
.Ltmp0:
0x6: {  	[smem:$0x7FF] =	sst s4;
	s6 =	sand.u32 $0x1, s3;
	(pc) =	sbr.rel .LBB2_1-.Ltmp0, $4  }
0x7: {  	s3 =	stileid.u32;
	s7 =	ssub.s32 $0x2, s6;
	s6 =	sshll.u32 s6, $0x4  }
0x8: {  	v2 =	vlaneseq.u32;
	s5 =	sadd.s32 $0x1200, s5;
	s8 =	sshrl.u32 s7, $0x1;
	s6 =	sor.u32 s3, s6  }
0x9: {  	vm0 =	vmmov $0xffff;
	v1 =	vshrl.u32 v2, $0x3;
	_ =	strace $0x80000047;
	s8 =	ssub.s32 s7, s8;
	s31 =	sshll.u32 s6, $0x5  }
0xa: {  	v0 =	vand.u32 $0x7, v2;
	v2 =	vor.u32 $0x8, v2;
	v1 =	vmul.u32 $0x8, v1;
	s6 =	sshll.u32 s6, $0x1;
	s7 =	sadd.s32 s5, s31;
	s8 =	smax.u32 s8, $0x1  }
.LBB2_4:
0xb: {  	s12 =	sand.u32 $0x1, s12  }
0xc: {  	_ =	strace $0x8000004D;
	s12 =	sadd.s32 $0x3, s12  }
0xd: {  	_ =	swait.ge [sflag:s12], $0x8000  }
0xe: {  	[sflag:s12] =	ssyncset.done $0x0  }
0xf: {  	s11 =	sadd.s32 $0x1, s11;
	[sflag:s12] =	ssyncadd.s32 $0xFFFF8000  }
0x10: {  	p0 =	sne.s32 s11, s8;
	_ =	strace $0x9000004D  }
.Ltmp1:
0x11: {  	_ =	strace $0x8000004E;
	(pc) =	sbr.rel @!p0 .LBB2_5-.Ltmp1, $4  }
0x12: {  	_ =	swait.ge [sflag:s10], $0x8000  }
0x13: {  	[sflag:s10] =	ssyncset.done $0x0  }
0x14: {  	[sflag:s10] =	ssyncadd.s32 $0xFFFF8000  }
0x15: {  	_ =	strace $0x9000004E  }
.LBB2_1:
0x16: {  	_ =	strace $0x80000048  }
0x17: {  	p0 =	por $0x1, $0x1;
	p2 =	por $0x0, $0x0;
	s13 =	simm.s32 $0x0  }
0x18: {  	s12 =	simm.s32 $0x0;
	s17 =	simm.s32 $0x0;
	s14 =	simm.s32 $0x0  }
0x19: {  	[tilespmem:s4], [sflag:$0x1] =	stream.linear.gather [hbm4b:s7+s4], $0x80, $0x200038;
	[tilespmem:$0x10100] =	vst v63  }
0x1a: {  	s15 =	simm.s32 $0x1;
	s16 =	simm.s32 $0x0;
	_ =	strace $0x90000048  }
.LBB2_2:
0x1b: {  	s18 =	smov.u32 s13;
	s13 =	sadd.s32 $0x1, s13  }
0x1c: {  	p1 =	seq.s32 s13, $0x2  }
0x1d: {  	s13 =	simm.s32 @p1 $0x0  }
0x1e: {  	p1 =	sne.s32 s18, s13  }
0x1f: {  	p1 =	por !p0, !p1  }
0x20: {  	p1 =	por !p1, !p1  }
0x21: {  	s19 =	sadd.s32 @p1 s6, s13  }
0x22: {  	s20 =	sand.u32 @p1 $0x1, s15;
	s19 =	sshll.u32 @p1 s19, $0x4  }
0x23: {  	_ =	strace @p1 $0x80000049;
	s22 =	simm.s32 @p1 $0x0;
	s19 =	sand.u32 @p1 $0x1FFFFFF0, s19  }
0x24: {  	s21 =	sshll.u32 @p1 s20, $0x7;
	s20 =	sadd.s32 @p1 $0x1, s20;
	s19 =	sadd.s32 @p1 s5, s19  }
0x25: {  	[tilespmem:s21], [sflag:s20] =	stream.linear.gather @p1 [hbm4b:s19+s22], $0x80, $0x200038;
	[tilespmem:$0x10100] =	vst v63  }
0x26: {  	s23 =	sand.u32 $0x1, s14;
	_ =	strace @p1 $0x90000049  }
0x27: {  	s19 =	sadd.s32 $0x1, s23;
	_ =	strace $0x8000004A  }
0x28: {  	_ =	swait.ge [sflag:s19], $0x80  }
0x29: {  	[sflag:s19] =	ssyncset.done $0x0  }
0x2a: {  	[sflag:s19] =	ssyncadd.s32 $0xFFFFFF80  }
0x2b: {  	s24 =	sshll.u32 s14, $0x7;
	_ =	strace $0x9000004A  }
0x2c: {  	s22 =	sand.u32 $0x80, s24;
	_ =	strace $0x8000004B  }
0x2d: {  	v3 =	vld [tilespmem:s22+$0x0];
	_ =	sdelay $0x4  }
0x2e: {  	v4 =	vshll.u32 v3, $0x1  }
0x2f: {  	v3 =	vand.u32 $0x7, v3;
	v4 =	vand.u32 $0xFFFFFFF0, v4  }
0x30: {  	v3 =	vor.u32 v3, v4  }
0x31: {  	v4 =	vperm.xlane v3, v0;
	_ =	sdelay $0x1  }
0x32: {  	v3 =	vperm.xlane v3, v2;
	v4 =	vadd.s32 v1, v4;
	_ =	sdelay $0x1  }
0x33: {  	s19 =	sand.u32 $0x1, s17;
	v3 =	vadd.s32 v1, v3  }
0x34: {  	s21 =	sshll.u32 s19, $0xF  }
0x35: {  	s20 =	sor.u32 $0x100, s21  }
0x36: {  	[tilespmem:s20], [sflag:$0x5] =	stream.indirect_vreg.gather [hbm4b:s1+s4], $0x80, v4, vm0, $0x2000b8;
	[tilespmem:$0x10100] =	vst v63  }
0x37: {  	s23 =	sor.u32 $0x900, s21  }
0x38: {  	[tilespmem:s23], [sflag:$0x5] =	stream.indirect_vreg.gather [hbm4b:s1+s4], $0x80, v3, vm0, $0x2000b8;
	[tilespmem:$0x10100] =	vst v63  }
0x39: {  	v3 =	vld [tilespmem:s22+$0x10];
	_ =	sdelay $0x4  }
0x3a: {  	v57 =	vshll.u32 v3, $0x1  }
0x3b: {  	v3 =	vand.u32 $0x7, v3;
	v4 =	vand.u32 $0xFFFFFFF0, v57  }
0x3c: {  	v3 =	vor.u32 v3, v4  }
0x3d: {  	v4 =	vperm.xlane v3, v0;
	_ =	sdelay $0x1  }
0x3e: {  	v3 =	vperm.xlane v3, v2;
	v4 =	vadd.s32 v1, v4;
	_ =	sdelay $0x1  }
0x3f: {  	v3 =	vadd.s32 v1, v3;
	_ =	sdelay $0x1  }
0x40: {  	s25 =	sor.u32 $0x1100, s21  }
0x41: {  	[tilespmem:s25], [sflag:$0x5] =	stream.indirect_vreg.gather [hbm4b:s1+s4], $0x80, v4, vm0, $0x2000b8;
	[tilespmem:$0x10100] =	vst v63  }
0x42: {  	s26 =	sor.u32 $0x1900, s21  }
0x43: {  	[tilespmem:s26], [sflag:$0x5] =	stream.indirect_vreg.gather [hbm4b:s1+s4], $0x80, v3, vm0, $0x2000b8;
	[tilespmem:$0x10100] =	vst v63  }
0x44: {  	v3 =	vld [tilespmem:s22+$0x20];
	_ =	sdelay $0x4  }
0x45: {  	v58 =	vshll.u32 v3, $0x1  }
0x46: {  	v3 =	vand.u32 $0x7, v3;
	v4 =	vand.u32 $0xFFFFFFF0, v58  }
0x47: {  	v3 =	vor.u32 v3, v4  }
0x48: {  	v4 =	vperm.xlane v3, v0;
	_ =	sdelay $0x1  }
0x49: {  	v3 =	vperm.xlane v3, v2;
	v4 =	vadd.s32 v1, v4;
	_ =	sdelay $0x1  }
0x4a: {  	v3 =	vadd.s32 v1, v3;
	_ =	sdelay $0x1  }
0x4b: {  	s28 =	sor.u32 $0x2100, s21  }
0x4c: {  	[tilespmem:s28], [sflag:$0x5] =	stream.indirect_vreg.gather [hbm4b:s1+s4], $0x80, v4, vm0, $0x2000b8;
	[tilespmem:$0x10100] =	vst v63  }
0x4d: {  	s29 =	sor.u32 $0x2900, s21  }
0x4e: {  	[tilespmem:s29], [sflag:$0x5] =	stream.indirect_vreg.gather [hbm4b:s1+s4], $0x80, v3, vm0, $0x2000b8;
	[tilespmem:$0x10100] =	vst v63  }
0x4f: {  	v3 =	vld [tilespmem:s22+$0x30];
	_ =	sdelay $0x4  }
0x50: {  	v59 =	vshll.u32 v3, $0x1  }
0x51: {  	v3 =	vand.u32 $0x7, v3;
	v4 =	vand.u32 $0xFFFFFFF0, v59  }
0x52: {  	v3 =	vor.u32 v3, v4  }
0x53: {  	v4 =	vperm.xlane v3, v0;
	_ =	sdelay $0x1  }
0x54: {  	v3 =	vperm.xlane v3, v2;
	v4 =	vadd.s32 v1, v4;
	_ =	sdelay $0x1  }
0x55: {  	v3 =	vadd.s32 v1, v3;
	_ =	sdelay $0x1  }
0x56: {  	s30 =	sor.u32 $0x3100, s21  }
0x57: {  	[tilespmem:s30], [sflag:$0x5] =	stream.indirect_vreg.gather [hbm4b:s1+s4], $0x80, v4, vm0, $0x2000b8;
	[tilespmem:$0x10100] =	vst v63  }
0x58: {  	s31 =	sor.u32 $0x3900, s21  }
0x59: {  	[tilespmem:s31], [sflag:$0x5] =	stream.indirect_vreg.gather [hbm4b:s1+s4], $0x80, v3, vm0, $0x2000b8;
	[tilespmem:$0x10100] =	vst v63  }
0x5a: {  	v3 =	vld [tilespmem:s22+$0x40];
	_ =	sdelay $0x4  }
0x5b: {  	v60 =	vshll.u32 v3, $0x1  }
0x5c: {  	v3 =	vand.u32 $0x7, v3;
	v4 =	vand.u32 $0xFFFFFFF0, v60  }
0x5d: {  	v3 =	vor.u32 v3, v4  }
0x5e: {  	v4 =	vperm.xlane v3, v0;
	_ =	sdelay $0x1  }
0x5f: {  	v3 =	vperm.xlane v3, v2;
	v4 =	vadd.s32 v1, v4;
	_ =	sdelay $0x1  }
0x60: {  	v3 =	vadd.s32 v1, v3;
	_ =	sdelay $0x1  }
0x61: {  	s24 =	sor.u32 $0x4100, s21  }
0x62: {  	[tilespmem:s24], [sflag:$0x5] =	stream.indirect_vreg.gather [hbm4b:s1+s4], $0x80, v4, vm0, $0x2000b8;
	[tilespmem:$0x10100] =	vst v63  }
0x63: {  	s25 =	sor.u32 $0x4900, s21  }
0x64: {  	[tilespmem:s25], [sflag:$0x5] =	stream.indirect_vreg.gather [hbm4b:s1+s4], $0x80, v3, vm0, $0x2000b8;
	[tilespmem:$0x10100] =	vst v63  }
0x65: {  	v3 =	vld [tilespmem:s22+$0x50];
	_ =	sdelay $0x4  }
0x66: {  	v61 =	vshll.u32 v3, $0x1  }
0x67: {  	v3 =	vand.u32 $0x7, v3;
	v4 =	vand.u32 $0xFFFFFFF0, v61  }
0x68: {  	v3 =	vor.u32 v3, v4  }
0x69: {  	v4 =	vperm.xlane v3, v0;
	_ =	sdelay $0x1  }
0x6a: {  	v3 =	vperm.xlane v3, v2;
	v4 =	vadd.s32 v1, v4;
	_ =	sdelay $0x1  }
0x6b: {  	v3 =	vadd.s32 v1, v3;
	_ =	sdelay $0x1  }
0x6c: {  	s26 =	sor.u32 $0x5100, s21  }
0x6d: {  	[tilespmem:s26], [sflag:$0x5] =	stream.indirect_vreg.gather [hbm4b:s1+s4], $0x80, v4, vm0, $0x2000b8;
	[tilespmem:$0x10100] =	vst v63  }
0x6e: {  	s28 =	sor.u32 $0x5900, s21  }
0x6f: {  	[tilespmem:s28], [sflag:$0x5] =	stream.indirect_vreg.gather [hbm4b:s1+s4], $0x80, v3, vm0, $0x2000b8;
	[tilespmem:$0x10100] =	vst v63  }
0x70: {  	v3 =	vld [tilespmem:s22+$0x60];
	_ =	sdelay $0x4  }
0x71: {  	v62 =	vshll.u32 v3, $0x1  }
0x72: {  	v3 =	vand.u32 $0x7, v3;
	v4 =	vand.u32 $0xFFFFFFF0, v62  }
0x73: {  	v3 =	vor.u32 v3, v4  }
0x74: {  	v4 =	vperm.xlane v3, v0;
	_ =	sdelay $0x1  }
0x75: {  	v3 =	vperm.xlane v3, v2;
	v4 =	vadd.s32 v1, v4;
	_ =	sdelay $0x1  }
0x76: {  	v3 =	vadd.s32 v1, v3;
	_ =	sdelay $0x1  }
0x77: {  	s29 =	sor.u32 $0x6100, s21  }
0x78: {  	[tilespmem:s29], [sflag:$0x5] =	stream.indirect_vreg.gather [hbm4b:s1+s4], $0x80, v4, vm0, $0x2000b8;
	[tilespmem:$0x10100] =	vst v63  }
0x79: {  	s30 =	sor.u32 $0x6900, s21  }
0x7a: {  	[tilespmem:s30], [sflag:$0x5] =	stream.indirect_vreg.gather [hbm4b:s1+s4], $0x80, v3, vm0, $0x2000b8;
	[tilespmem:$0x10100] =	vst v63  }
0x7b: {  	v3 =	vld [tilespmem:s22+$0x70];
	_ =	sdelay $0x4  }
0x7c: {  	v63 =	vshll.u32 v3, $0x1  }
0x7d: {  	v3 =	vand.u32 $0x7, v3;
	v4 =	vand.u32 $0xFFFFFFF0, v63  }
0x7e: {  	v3 =	vor.u32 v3, v4  }
0x7f: {  	v4 =	vperm.xlane v3, v0;
	_ =	sdelay $0x1  }
0x80: {  	v3 =	vperm.xlane v3, v2;
	v4 =	vadd.s32 v1, v4;
	_ =	sdelay $0x1  }
0x81: {  	v3 =	vadd.s32 v1, v3;
	_ =	sdelay $0x1  }
0x82: {  	p2 =	por !p2, !p2;
	p3 =	seq.s32 s18, s13;
	s31 =	sor.u32 $0x7100, s21  }
0x83: {  	[tilespmem:s31], [sflag:$0x5] =	stream.indirect_vreg.gather [hbm4b:s1+s4], $0x80, v4, vm0, $0x2000b8;
	[tilespmem:$0x10100] =	vst v63  }
0x84: {  	p2 =	por !p2, !p3;
	s21 =	sor.u32 $0x7900, s21  }
0x85: {  	[tilespmem:s21], [sflag:$0x5] =	stream.indirect_vreg.gather [hbm4b:s1+s4], $0x80, v3, vm0, $0x2000b8;
	[tilespmem:$0x10100] =	vst v63  }
0x86: {  	s18 =	sadd.s32 s6, s18;
	p2 =	por !p2, !p2;
	_ =	swait.ge [sflag:s9], $0x8000  }
0x87: {  	s18 =	sshll.u32 @!p2 s18, $0xC;
	p0 =	por p2, p0;
	[sflag:s9] =	ssyncset.done $0x0  }
.Ltmp2:
0x88: {  	s18 =	sand.u32 @!p2 $0x1FFFF000, s18;
	[sflag:s9] =	ssyncadd.s32 $0xFFFF8000;
	(pc) =	sbr.rel @!p0 .LBB2_4-.Ltmp2, $4  }
0x89: {  	s18 =	sadd.s32 @!p2 s2, s18;
	_ =	strace $0x9000004B  }
0x8a: {  	s19 =	sadd.s32 @!p2 $0x3, s19;
	s21 =	simm.s32 @!p2 $0x0;
	_ =	strace @!p2 $0x8000004C  }
0x8b: {  	[hbm4b:s18+s21] =	stream.linear.scatter @!p2 [tilespmem:s20], [sflag:s19], $0x8000, $0x200038;
	[tilespmem:$0x10100] =	vst v63  }
0x8c: {  	_ =	strace @!p2 $0x9000004C  }
.Ltmp3:
0x8d: {  	s18 =	simm.s32 $0x1;
	(pc) =	sbr.rel .LBB2_2-.Ltmp3, $4  }
0x8e: {  	s19 =	simm.s32 @!p2 $0x1;
	s12 =	sadd.s32 s16, s12;
	s18 =	simm.s32 @!p1 $0x0  }
0x8f: {  	s16 =	simm.s32 $0x1;
	s15 =	sadd.s32 s18, s15;
	s18 =	sadd.s32 @!p2 $0x1, s17  }
0x90: {  	p0 =	por $0x0, $0x0;
	s19 =	simm.s32 @p2 $0x0;
	s18 =	smov.u32 @p2 s17  }
0x91: {  	s14 =	sadd.s32 s14, s19;
	p2 =	por $0x1, $0x1;
	s17 =	smov.u32 s18  }
.LBB2_5:
0x92: {  	_ =	sfence.sel $0x180000  }
0x93: {  	[bflag:$0x0] =	sbarrier.arrive $0xFFFF  }
0x94: {  	p0 =	sne.s32 s3, $0x0;
	_ =	strace $0x90000047  }
0x95: {  	s0 =	sadd.s32 @!p0 $0x100000, s0;
	[bflag:$0x2] =	sbarrier.arrive $0xFFFF  }
0x96: {  	[sflag:s0] =	ssyncadd.tile.s32 @!p0 $0x1;
	_ =	shalt  }
.Lfunc_end2:
_tile_overlayer_lowered:
.L_overlay_start_2:
0x97: {  	(tag) =	ssettag $0x2  }
0x98: {  	s0 =	rddreg [dreg:$0x0];
	s2 =	stileid.u32  }
0x99: {  	s1 =	rddreg [dreg:$0x1];
	p0 =	sne.s32 s2, $0x0  }
0x9a: {  	s3 =	rddreg [dreg:$0x2];
	[bflag:$0x3] =	sbarrier.arrive $0xFFFF;
	s2 =	simm.s32 @!p0 $0x1C01  }
0x9b: {  	[timem:s3], [sflag:s2] =	dma.local @!p0 [hbm:s0], s1  }
0x9c: {  	s0 =	simm.s32 @!p0 $0x1  }
0x9d: {  	_ =	swait.ge @!p0 [sflag:s0], s1  }
0x9e: {  	s1 =	ssub.s32 @!p0 $0x0, s1;
	[sflag:s0] =	ssyncset.done @!p0 $0x0  }
0x9f: {  	[sflag:s0] =	ssyncadd.s32 @!p0 s1  }
0xa0: {  	[bflag:$0x3] =	sbarrier.arrive $0xFFFF  }
0xa1: {  	_ =	shalt  }

</sc_bundles>
